<compile_context>
chip_gen: v7x
topology: tpu7x:2x2x1
jax: 0.10.2.dev20260603
libtpu: 0.0.44.dev20260713+nightly
codegen_flags: <defaults>
</compile_context>

<pallas_src>
import functools

import jax
import jax.numpy as jnp
from jax import lax
from jax.experimental import pallas as pl
from jax.experimental.pallas import tpu as pltpu
from jax.experimental.pallas import tpu_sc as plsc

_B = 4096 * 200
_D = 64
_NC = 2
_NS = 16
_NW = _NC * _NS
_R = _B // _NW
_C = 128
_STEPS = _R // _C
_NBUF = 4

_mesh = plsc.VectorSubcoreMesh(core_axis_name="c", subcore_axis_name="s")


@functools.partial(
    pl.kernel,
    mesh=_mesh,
    out_type=jax.ShapeDtypeStruct((_B, _D), jnp.float32),
    scratch_types=[
        pltpu.VMEM((_STEPS, _C), jnp.int32),
        pltpu.VMEM((_NBUF, _C, _D), jnp.float32),
        pltpu.SemaphoreType.DMA((_NBUF,)),
        pltpu.SemaphoreType.DMA((_NBUF,)),
    ],
    compiler_params=pltpu.CompilerParams(use_tc_tiling_on_sc=False),
)
def _gather(table_hbm, idx_hbm, out_hbm, idx_v, rows_v, gsem, ssem):
    wid = lax.axis_index("s") * _NC + lax.axis_index("c")
    cbase = wid * _STEPS

    pltpu.sync_copy(idx_hbm.at[pl.ds(cbase, _STEPS)], idx_v)

    def start_gather(g, b):
        return pltpu.async_copy(table_hbm.at[idx_v.at[g]], rows_v.at[b], gsem.at[b])

    def wait_gather(b):
        pltpu.make_async_copy(table_hbm.at[idx_v.at[0]], rows_v.at[b], gsem.at[b]).wait()

    def start_store(g, b):
        return pltpu.async_copy(rows_v.at[b], out_hbm.at[pl.ds((cbase + g) * _C, _C)], ssem.at[b])

    def wait_store(b):
        pltpu.make_async_copy(rows_v.at[b], out_hbm.at[pl.ds(0, _C)], ssem.at[b]).wait()

    for b in range(_NBUF):
        start_gather(b, b)

    @pl.loop(0, _STEPS - _NBUF, step=_NBUF)
    def _body(gbase):
        for b in range(_NBUF):
            g = gbase + b
            wait_gather(b)
            start_store(g, b)
            wait_store(b)
            start_gather(g + _NBUF, b)

    for b in range(_NBUF):
        wait_gather(b)
        start_store(_STEPS - _NBUF + b, b)
    for b in range(_NBUF):
        wait_store(b)


def kernel(x, position_embedding):
    flat = x.reshape(-1, _C)
    out = _gather(position_embedding, flat)
    return out.reshape(x.shape + (position_embedding.shape[1],))

# --- scband reference (transcript-rebuilt; emitter-appended) ---
"""Pipeline reference for scband-sin-position-embedding-3977139716275 (READ-ONLY COPY).

The authoritative reference and input builder live on the scoring server;
editing this copy changes nothing except your own understanding.
"""

import math
import jax, jax.numpy as jnp
import numpy as np

NUM_EMBEDDINGS = 100000
EMBEDDING_DIM = 64
SIN_SCALE_FACTOR = 30
BATCH = 4096
HIST_LEN = 200


def _build_position_embedding(num_embeddings, embedding_dim, sin_scale_factor):
    pe = np.zeros((num_embeddings + 1, embedding_dim), dtype=np.float32)
    position_indices = np.arange(0, num_embeddings, dtype=np.float32)[:, None]
    div_term = np.exp(-math.log(sin_scale_factor) * np.arange(0, embedding_dim, 2, dtype=np.float32) / embedding_dim)
    pe[1:, 0::2] = np.sin(position_indices * div_term)
    pe[1:, 1::2] = np.cos(position_indices * div_term)
    return jnp.asarray(pe)


def setup_inputs(seed: int = 0) -> dict:
    key = jax.random.key(seed)
    x = jax.random.randint(key, (BATCH, HIST_LEN), 0, NUM_EMBEDDINGS, dtype=jnp.int32)
    position_embedding = _build_position_embedding(NUM_EMBEDDINGS, EMBEDDING_DIM, SIN_SCALE_FACTOR)
    return {"x": x, "position_embedding": position_embedding}


def reference(x, position_embedding):
    # Faithful translation of SinPositionEmbedding.forward: gather rows of the
    # precomputed sinusoidal table by index.
    return jnp.take(position_embedding, x, axis=0)

if __name__ == "__main__":
    import jax
    _d = setup_inputs()
    print(jax.jit(kernel)(*tuple(_d.values())))

</pallas_src>

<mosaic_0001>
#map = affine_map<(d0, d1) -> (0, 0)>
module attributes {stable_mosaic.version = 14 : i64} {
  func.func @_gather(%arg0: i32, %arg1: i32, %arg2: memref<100001x64xf32, #tpu.memory_space<hbm>>, %arg3: memref<6400x128xi32, #tpu.memory_space<hbm>>, %arg4: memref<819200x64xf32, #tpu.memory_space<hbm>>, %arg5: memref<200x128xi32, #tpu.memory_space<vmem>>, %arg6: memref<4x128x64xf32, #tpu.memory_space<vmem>>, %arg7: memref<4x!tpu.dma_semaphore, #tpu.memory_space<semaphore_mem>>, %arg8: memref<4x!tpu.dma_semaphore, #tpu.memory_space<semaphore_mem>>) attributes {dimension_semantics = [#tpu.dimension_semantics<core_parallel>, #tpu.dimension_semantics<subcore_parallel>], iteration_bounds = array<i64: 2, 16>, scalar_prefetch = 0 : i64, scratch_operands = 4 : i64, tpu.core_type = #tpu.core_type<sc_vector_subcore>, window_params = [{transform_indices = #map}, {transform_indices = #map}, {transform_indices = #map}]} {
    %mul3A = arith.constant 2 : i32
    %mul3A_0 = arith.muli %arg1, %mul3A : i32
    %add3A = arith.addi %mul3A_0, %arg0 : i32
    %mul3A_1 = arith.constant 200 : i32
    %mul3A_2 = arith.muli %add3A, %mul3A_1 : i32
    "tpu.region"() ({
      %run_scoped3A = tpu.sem_alloc : memref<!tpu.dma_semaphore, #tpu.memory_space<semaphore_mem>>
      %dma_start3A_277 = arith.constant 0 : i32
      %dma_start3A_278 = tpu.memref_slice %arg3[%mul3A_2, %dma_start3A_277] : memref<6400x128xi32, #tpu.memory_space<hbm>> -> memref<200x128xi32, #tpu.memory_space<hbm>>
      %dma_start3A_279 = arith.constant 0 : i32
      %dma_start3A_280 = tpu.memref_slice %arg3[%mul3A_2, %dma_start3A_279] : memref<6400x128xi32, #tpu.memory_space<hbm>> -> memref<200x128xi32, #tpu.memory_space<hbm>>
      tpu.enqueue_dma source(%dma_start3A_280 : memref<200x128xi32, #tpu.memory_space<hbm>>) target(%arg5 : memref<200x128xi32, #tpu.memory_space<vmem>>) target_semaphore(%run_scoped3A : memref<!tpu.dma_semaphore, #tpu.memory_space<semaphore_mem>>)
      %dma_wait3A_281 = arith.constant 0 : i32
      %dma_wait3A_282 = tpu.memref_slice %arg3[%mul3A_2, %dma_wait3A_281] : memref<6400x128xi32, #tpu.memory_space<hbm>> -> memref<200x128xi32, #tpu.memory_space<hbm>>
      %dma_wait3A_283 = arith.constant 0 : i32
      %dma_wait3A_284 = tpu.memref_slice %arg3[%mul3A_2, %dma_wait3A_283] : memref<6400x128xi32, #tpu.memory_space<hbm>> -> memref<200x128xi32, #tpu.memory_space<hbm>>
      tpu.wait_dma2 semaphore(%run_scoped3A : memref<!tpu.dma_semaphore, #tpu.memory_space<semaphore_mem>>) src(%dma_wait3A_284 : memref<200x128xi32, #tpu.memory_space<hbm>>) dst(%arg5 : memref<200x128xi32, #tpu.memory_space<vmem>>)
      tpu.yield
    }) : () -> ()
    %dma_start3A = arith.constant 0 : i32
    %dma_start3A_3 = arith.constant 0 : i32
    %dma_start3A_4 = arith.constant 0 : i32
    %dma_start3A_5 = arith.constant 0 : i32
    %dma_start3A_6 = arith.constant 0 : i32
    %dma_start3A_7 = tpu.memref_slice %arg6[%dma_start3A_3, %dma_start3A_5, %dma_start3A_6] : memref<4x128x64xf32, #tpu.memory_space<vmem>> -> memref<1x128x64xf32, #tpu.memory_space<vmem>>
    %dma_start3A_8 = tpu.memref_squeeze %dma_start3A_7 : memref<1x128x64xf32, #tpu.memory_space<vmem>> -> memref<128x64xf32, #tpu.memory_space<vmem>>
    %dma_start3A_9 = arith.constant 0 : i32
    %dma_start3A_10 = tpu.memref_slice %arg5[%dma_start3A, %dma_start3A_9] : memref<200x128xi32, #tpu.memory_space<vmem>> -> memref<1x128xi32, #tpu.memory_space<vmem>>
    %dma_start3A_11 = tpu.memref_squeeze %dma_start3A_10 : memref<1x128xi32, #tpu.memory_space<vmem>> -> memref<128xi32, #tpu.memory_space<vmem>>
    %dma_start3A_12 = arith.constant 0 : i32
    %dma_start3A_13 = arith.constant 0 : i32
    %dma_start3A_14 = tpu.memref_slice %arg2[%dma_start3A_12, %dma_start3A_13] : memref<100001x64xf32, #tpu.memory_space<hbm>> -> memref<100001x64xf32, #tpu.memory_space<hbm>>
    %dma_start3A_15 = tpu.memref_slice %arg7[%dma_start3A_4] : memref<4x!tpu.dma_semaphore, #tpu.memory_space<semaphore_mem>> -> memref<1x!tpu.dma_semaphore, #tpu.memory_space<semaphore_mem>>
    %dma_start3A_16 = tpu.memref_squeeze %dma_start3A_15 : memref<1x!tpu.dma_semaphore, #tpu.memory_space<semaphore_mem>> -> memref<!tpu.dma_semaphore, #tpu.memory_space<semaphore_mem>>
    tpu.enqueue_indirect_dma source(%dma_start3A_14 : memref<100001x64xf32, #tpu.memory_space<hbm>>) target(%dma_start3A_8 : memref<128x64xf32, #tpu.memory_space<vmem>>) offsets(%dma_start3A_11 : memref<128xi32, #tpu.memory_space<vmem>>) semaphore(%dma_start3A_16 : memref<!tpu.dma_semaphore, #tpu.memory_space<semaphore_mem>>)
    %dma_start3A_17 = arith.constant 1 : i32
    %dma_start3A_18 = arith.constant 1 : i32
    %dma_start3A_19 = arith.constant 1 : i32
    %dma_start3A_20 = arith.constant 0 : i32
    %dma_start3A_21 = arith.constant 0 : i32
    %dma_start3A_22 = tpu.memref_slice %arg6[%dma_start3A_18, %dma_start3A_20, %dma_start3A_21] : memref<4x128x64xf32, #tpu.memory_space<vmem>> -> memref<1x128x64xf32, #tpu.memory_space<vmem>>
    %dma_start3A_23 = tpu.memref_squeeze %dma_start3A_22 : memref<1x128x64xf32, #tpu.memory_space<vmem>> -> memref<128x64xf32, #tpu.memory_space<vmem>>
    %dma_start3A_24 = arith.constant 0 : i32
    %dma_start3A_25 = tpu.memref_slice %arg5[%dma_start3A_17, %dma_start3A_24] : memref<200x128xi32, #tpu.memory_space<vmem>> -> memref<1x128xi32, #tpu.memory_space<vmem>>
    %dma_start3A_26 = tpu.memref_squeeze %dma_start3A_25 : memref<1x128xi32, #tpu.memory_space<vmem>> -> memref<128xi32, #tpu.memory_space<vmem>>
    %dma_start3A_27 = arith.constant 0 : i32
    %dma_start3A_28 = arith.constant 0 : i32
    %dma_start3A_29 = tpu.memref_slice %arg2[%dma_start3A_27, %dma_start3A_28] : memref<100001x64xf32, #tpu.memory_space<hbm>> -> memref<100001x64xf32, #tpu.memory_space<hbm>>
    %dma_start3A_30 = tpu.memref_slice %arg7[%dma_start3A_19] : memref<4x!tpu.dma_semaphore, #tpu.memory_space<semaphore_mem>> -> memref<1x!tpu.dma_semaphore, #tpu.memory_space<semaphore_mem>>
    %dma_start3A_31 = tpu.memref_squeeze %dma_start3A_30 : memref<1x!tpu.dma_semaphore, #tpu.memory_space<semaphore_mem>> -> memref<!tpu.dma_semaphore, #tpu.memory_space<semaphore_mem>>
    tpu.enqueue_indirect_dma source(%dma_start3A_29 : memref<100001x64xf32, #tpu.memory_space<hbm>>) target(%dma_start3A_23 : memref<128x64xf32, #tpu.memory_space<vmem>>) offsets(%dma_start3A_26 : memref<128xi32, #tpu.memory_space<vmem>>) semaphore(%dma_start3A_31 : memref<!tpu.dma_semaphore, #tpu.memory_space<semaphore_mem>>)
    %dma_start3A_32 = arith.constant 2 : i32
    %dma_start3A_33 = arith.constant 2 : i32
    %dma_start3A_34 = arith.constant 2 : i32
    %dma_start3A_35 = arith.constant 0 : i32
    %dma_start3A_36 = arith.constant 0 : i32
    %dma_start3A_37 = tpu.memref_slice %arg6[%dma_start3A_33, %dma_start3A_35, %dma_start3A_36] : memref<4x128x64xf32, #tpu.memory_space<vmem>> -> memref<1x128x64xf32, #tpu.memory_space<vmem>>
    %dma_start3A_38 = tpu.memref_squeeze %dma_start3A_37 : memref<1x128x64xf32, #tpu.memory_space<vmem>> -> memref<128x64xf32, #tpu.memory_space<vmem>>
    %dma_start3A_39 = arith.constant 0 : i32
    %dma_start3A_40 = tpu.memref_slice %arg5[%dma_start3A_32, %dma_start3A_39] : memref<200x128xi32, #tpu.memory_space<vmem>> -> memref<1x128xi32, #tpu.memory_space<vmem>>
    %dma_start3A_41 = tpu.memref_squeeze %dma_start3A_40 : memref<1x128xi32, #tpu.memory_space<vmem>> -> memref<128xi32, #tpu.memory_space<vmem>>
    %dma_start3A_42 = arith.constant 0 : i32
    %dma_start3A_43 = arith.constant 0 : i32
    %dma_start3A_44 = tpu.memref_slice %arg2[%dma_start3A_42, %dma_start3A_43] : memref<100001x64xf32, #tpu.memory_space<hbm>> -> memref<100001x64xf32, #tpu.memory_space<hbm>>
    %dma_start3A_45 = tpu.memref_slice %arg7[%dma_start3A_34] : memref<4x!tpu.dma_semaphore, #tpu.memory_space<semaphore_mem>> -> memref<1x!tpu.dma_semaphore, #tpu.memory_space<semaphore_mem>>
    %dma_start3A_46 = tpu.memref_squeeze %dma_start3A_45 : memref<1x!tpu.dma_semaphore, #tpu.memory_space<semaphore_mem>> -> memref<!tpu.dma_semaphore, #tpu.memory_space<semaphore_mem>>
    tpu.enqueue_indirect_dma source(%dma_start3A_44 : memref<100001x64xf32, #tpu.memory_space<hbm>>) target(%dma_start3A_38 : memref<128x64xf32, #tpu.memory_space<vmem>>) offsets(%dma_start3A_41 : memref<128xi32, #tpu.memory_space<vmem>>) semaphore(%dma_start3A_46 : memref<!tpu.dma_semaphore, #tpu.memory_space<semaphore_mem>>)
    %dma_start3A_47 = arith.constant 3 : i32
    %dma_start3A_48 = arith.constant 3 : i32
    %dma_start3A_49 = arith.constant 3 : i32
    %dma_start3A_50 = arith.constant 0 : i32
    %dma_start3A_51 = arith.constant 0 : i32
    %dma_start3A_52 = tpu.memref_slice %arg6[%dma_start3A_48, %dma_start3A_50, %dma_start3A_51] : memref<4x128x64xf32, #tpu.memory_space<vmem>> -> memref<1x128x64xf32, #tpu.memory_space<vmem>>
    %dma_start3A_53 = tpu.memref_squeeze %dma_start3A_52 : memref<1x128x64xf32, #tpu.memory_space<vmem>> -> memref<128x64xf32, #tpu.memory_space<vmem>>
    %dma_start3A_54 = arith.constant 0 : i32
    %dma_start3A_55 = tpu.memref_slice %arg5[%dma_start3A_47, %dma_start3A_54] : memref<200x128xi32, #tpu.memory_space<vmem>> -> memref<1x128xi32, #tpu.memory_space<vmem>>
    %dma_start3A_56 = tpu.memref_squeeze %dma_start3A_55 : memref<1x128xi32, #tpu.memory_space<vmem>> -> memref<128xi32, #tpu.memory_space<vmem>>
    %dma_start3A_57 = arith.constant 0 : i32
    %dma_start3A_58 = arith.constant 0 : i32
    %dma_start3A_59 = tpu.memref_slice %arg2[%dma_start3A_57, %dma_start3A_58] : memref<100001x64xf32, #tpu.memory_space<hbm>> -> memref<100001x64xf32, #tpu.memory_space<hbm>>
    %dma_start3A_60 = tpu.memref_slice %arg7[%dma_start3A_49] : memref<4x!tpu.dma_semaphore, #tpu.memory_space<semaphore_mem>> -> memref<1x!tpu.dma_semaphore, #tpu.memory_space<semaphore_mem>>
    %dma_start3A_61 = tpu.memref_squeeze %dma_start3A_60 : memref<1x!tpu.dma_semaphore, #tpu.memory_space<semaphore_mem>> -> memref<!tpu.dma_semaphore, #tpu.memory_space<semaphore_mem>>
    tpu.enqueue_indirect_dma source(%dma_start3A_59 : memref<100001x64xf32, #tpu.memory_space<hbm>>) target(%dma_start3A_53 : memref<128x64xf32, #tpu.memory_space<vmem>>) offsets(%dma_start3A_56 : memref<128xi32, #tpu.memory_space<vmem>>) semaphore(%dma_start3A_61 : memref<!tpu.dma_semaphore, #tpu.memory_space<semaphore_mem>>)
    %scan3A = arith.constant 0 : i32
    %scan3A_62 = arith.constant 49 : i32
    %scan3A_63 = arith.addi %scan3A, %scan3A_62 : i32
    %scan3A_64 = arith.constant 1 : i32
    scf.for %scan3A_277 = %scan3A to %scan3A_63 step %scan3A_64  : i32 {
      %mul3A_278 = arith.constant 4 : i32
      %mul3A_279 = arith.muli %scan3A_277, %mul3A_278 : i32
      %add3A_280 = arith.constant 0 : i32
      %add3A_281 = arith.addi %add3A_280, %mul3A_279 : i32
      %add3A_282 = arith.constant 0 : i32
      %add3A_283 = arith.addi %add3A_281, %add3A_282 : i32
      %dma_wait3A_284 = arith.constant 0 : i32
      %dma_wait3A_285 = arith.constant 0 : i32
      %dma_wait3A_286 = arith.constant 0 : i32
      %dma_wait3A_287 = arith.constant 0 : i32
      %dma_wait3A_288 = arith.constant 0 : i32
      %dma_wait3A_289 = tpu.memref_slice %arg6[%dma_wait3A_285, %dma_wait3A_287, %dma_wait3A_288] : memref<4x128x64xf32, #tpu.memory_space<vmem>> -> memref<1x128x64xf32, #tpu.memory_space<vmem>>
      %dma_wait3A_290 = tpu.memref_squeeze %dma_wait3A_289 : memref<1x128x64xf32, #tpu.memory_space<vmem>> -> memref<128x64xf32, #tpu.memory_space<vmem>>
      %dma_wait3A_291 = arith.constant 0 : i32
      %dma_wait3A_292 = tpu.memref_slice %arg5[%dma_wait3A_284, %dma_wait3A_291] : memref<200x128xi32, #tpu.memory_space<vmem>> -> memref<1x128xi32, #tpu.memory_space<vmem>>
      %dma_wait3A_293 = tpu.memref_squeeze %dma_wait3A_292 : memref<1x128xi32, #tpu.memory_space<vmem>> -> memref<128xi32, #tpu.memory_space<vmem>>
      %dma_wait3A_294 = arith.constant 0 : i32
      %dma_wait3A_295 = arith.constant 0 : i32
      %dma_wait3A_296 = tpu.memref_slice %arg2[%dma_wait3A_294, %dma_wait3A_295] : memref<100001x64xf32, #tpu.memory_space<hbm>> -> memref<100001x64xf32, #tpu.memory_space<hbm>>
      %dma_wait3A_297 = tpu.memref_slice %arg7[%dma_wait3A_286] : memref<4x!tpu.dma_semaphore, #tpu.memory_space<semaphore_mem>> -> memref<1x!tpu.dma_semaphore, #tpu.memory_space<semaphore_mem>>
      %dma_wait3A_298 = tpu.memref_squeeze %dma_wait3A_297 : memref<1x!tpu.dma_semaphore, #tpu.memory_space<semaphore_mem>> -> memref<!tpu.dma_semaphore, #tpu.memory_space<semaphore_mem>>
      tpu.wait_indirect_dma semaphore(%dma_wait3A_298 : memref<!tpu.dma_semaphore, #tpu.memory_space<semaphore_mem>>) src(%dma_wait3A_296 : memref<100001x64xf32, #tpu.memory_space<hbm>>) dst(%dma_wait3A_290 : memref<128x64xf32, #tpu.memory_space<vmem>>)
      %add3A_299 = arith.addi %mul3A_2, %add3A_283 : i32
      %mul3A_300 = arith.constant 128 : i32
      %mul3A_301 = arith.muli %add3A_299, %mul3A_300 : i32
      %dma_start3A_302 = arith.constant 0 : i32
      %dma_start3A_303 = arith.constant 0 : i32
      %dma_start3A_304 = arith.constant 0 : i32
      %dma_start3A_305 = arith.constant 0 : i32
      %dma_start3A_306 = tpu.memref_slice %arg6[%dma_start3A_302, %dma_start3A_304, %dma_start3A_305] : memref<4x128x64xf32, #tpu.memory_space<vmem>> -> memref<1x128x64xf32, #tpu.memory_space<vmem>>
      %dma_start3A_307 = tpu.memref_squeeze %dma_start3A_306 : memref<1x128x64xf32, #tpu.memory_space<vmem>> -> memref<128x64xf32, #tpu.memory_space<vmem>>
      %dma_start3A_308 = arith.constant 0 : i32
      %dma_start3A_309 = tpu.memref_slice %arg4[%mul3A_301, %dma_start3A_308] : memref<819200x64xf32, #tpu.memory_space<hbm>> -> memref<128x64xf32, #tpu.memory_space<hbm>>
      %dma_start3A_310 = tpu.memref_slice %arg8[%dma_start3A_303] : memref<4x!tpu.dma_semaphore, #tpu.memory_space<semaphore_mem>> -> memref<1x!tpu.dma_semaphore, #tpu.memory_space<semaphore_mem>>
      %dma_start3A_311 = tpu.memref_squeeze %dma_start3A_310 : memref<1x!tpu.dma_semaphore, #tpu.memory_space<semaphore_mem>> -> memref<!tpu.dma_semaphore, #tpu.memory_space<semaphore_mem>>
      %dma_start3A_312 = arith.constant 0 : i32
      %dma_start3A_313 = tpu.memref_slice %arg4[%mul3A_301, %dma_start3A_312] : memref<819200x64xf32, #tpu.memory_space<hbm>> -> memref<128x64xf32, #tpu.memory_space<hbm>>
      %dma_start3A_314 = arith.constant 0 : i32
      %dma_start3A_315 = arith.constant 0 : i32
      %dma_start3A_316 = tpu.memref_slice %arg6[%dma_start3A_302, %dma_start3A_314, %dma_start3A_315] : memref<4x128x64xf32, #tpu.memory_space<vmem>> -> memref<1x128x64xf32, #tpu.memory_space<vmem>>
      %dma_start3A_317 = tpu.memref_squeeze %dma_start3A_316 : memref<1x128x64xf32, #tpu.memory_space<vmem>> -> memref<128x64xf32, #tpu.memory_space<vmem>>
      tpu.enqueue_dma source(%dma_start3A_317 : memref<128x64xf32, #tpu.memory_space<vmem>>) target(%dma_start3A_313 : memref<128x64xf32, #tpu.memory_space<hbm>>) target_semaphore(%dma_start3A_311 : memref<!tpu.dma_semaphore, #tpu.memory_space<semaphore_mem>>)
      %dma_wait3A_318 = arith.constant 0 : i32
      %dma_wait3A_319 = arith.constant 0 : i32
      %dma_wait3A_320 = arith.constant 0 : i32
      %dma_wait3A_321 = arith.constant 0 : i32
      %dma_wait3A_322 = tpu.memref_slice %arg6[%dma_wait3A_318, %dma_wait3A_320, %dma_wait3A_321] : memref<4x128x64xf32, #tpu.memory_space<vmem>> -> memref<1x128x64xf32, #tpu.memory_space<vmem>>
      %dma_wait3A_323 = tpu.memref_squeeze %dma_wait3A_322 : memref<1x128x64xf32, #tpu.memory_space<vmem>> -> memref<128x64xf32, #tpu.memory_space<vmem>>
      %dma_wait3A_324 = arith.constant 0 : i32
      %dma_wait3A_325 = arith.constant 0 : i32
      %dma_wait3A_326 = tpu.memref_slice %arg4[%dma_wait3A_324, %dma_wait3A_325] : memref<819200x64xf32, #tpu.memory_space<hbm>> -> memref<128x64xf32, #tpu.memory_space<hbm>>
      %dma_wait3A_327 = tpu.memref_slice %arg8[%dma_wait3A_319] : memref<4x!tpu.dma_semaphore, #tpu.memory_space<semaphore_mem>> -> memref<1x!tpu.dma_semaphore, #tpu.memory_space<semaphore_mem>>
      %dma_wait3A_328 = tpu.memref_squeeze %dma_wait3A_327 : memref<1x!tpu.dma_semaphore, #tpu.memory_space<semaphore_mem>> -> memref<!tpu.dma_semaphore, #tpu.memory_space<semaphore_mem>>
      %dma_wait3A_329 = arith.constant 0 : i32
      %dma_wait3A_330 = arith.constant 0 : i32
      %dma_wait3A_331 = tpu.memref_slice %arg4[%dma_wait3A_329, %dma_wait3A_330] : memref<819200x64xf32, #tpu.memory_space<hbm>> -> memref<128x64xf32, #tpu.memory_space<hbm>>
      %dma_wait3A_332 = arith.constant 0 : i32
      %dma_wait3A_333 = arith.constant 0 : i32
      %dma_wait3A_334 = tpu.memref_slice %arg6[%dma_wait3A_318, %dma_wait3A_332, %dma_wait3A_333] : memref<4x128x64xf32, #tpu.memory_space<vmem>> -> memref<1x128x64xf32, #tpu.memory_space<vmem>>
      %dma_wait3A_335 = tpu.memref_squeeze %dma_wait3A_334 : memref<1x128x64xf32, #tpu.memory_space<vmem>> -> memref<128x64xf32, #tpu.memory_space<vmem>>
      tpu.wait_dma2 semaphore(%dma_wait3A_328 : memref<!tpu.dma_semaphore, #tpu.memory_space<semaphore_mem>>) src(%dma_wait3A_335 : memref<128x64xf32, #tpu.memory_space<vmem>>) dst(%dma_wait3A_331 : memref<128x64xf32, #tpu.memory_space<hbm>>)
      %add3A_336 = arith.constant 4 : i32
      %add3A_337 = arith.addi %add3A_283, %add3A_336 : i32
      %dma_start3A_338 = arith.constant 0 : i32
      %dma_start3A_339 = arith.constant 0 : i32
      %dma_start3A_340 = arith.constant 0 : i32
      %dma_start3A_341 = arith.constant 0 : i32
      %dma_start3A_342 = tpu.memref_slice %arg6[%dma_start3A_338, %dma_start3A_340, %dma_start3A_341] : memref<4x128x64xf32, #tpu.memory_space<vmem>> -> memref<1x128x64xf32, #tpu.memory_space<vmem>>
      %dma_start3A_343 = tpu.memref_squeeze %dma_start3A_342 : memref<1x128x64xf32, #tpu.memory_space<vmem>> -> memref<128x64xf32, #tpu.memory_space<vmem>>
      %dma_start3A_344 = arith.constant 0 : i32
      %dma_start3A_345 = tpu.memref_slice %arg5[%add3A_337, %dma_start3A_344] : memref<200x128xi32, #tpu.memory_space<vmem>> -> memref<1x128xi32, #tpu.memory_space<vmem>>
      %dma_start3A_346 = tpu.memref_squeeze %dma_start3A_345 : memref<1x128xi32, #tpu.memory_space<vmem>> -> memref<128xi32, #tpu.memory_space<vmem>>
      %dma_start3A_347 = arith.constant 0 : i32
      %dma_start3A_348 = arith.constant 0 : i32
      %dma_start3A_349 = tpu.memref_slice %arg2[%dma_start3A_347, %dma_start3A_348] : memref<100001x64xf32, #tpu.memory_space<hbm>> -> memref<100001x64xf32, #tpu.memory_space<hbm>>
      %dma_start3A_350 = tpu.memref_slice %arg7[%dma_start3A_339] : memref<4x!tpu.dma_semaphore, #tpu.memory_space<semaphore_mem>> -> memref<1x!tpu.dma_semaphore, #tpu.memory_space<semaphore_mem>>
      %dma_start3A_351 = tpu.memref_squeeze %dma_start3A_350 : memref<1x!tpu.dma_semaphore, #tpu.memory_space<semaphore_mem>> -> memref<!tpu.dma_semaphore, #tpu.memory_space<semaphore_mem>>
      tpu.enqueue_indirect_dma source(%dma_start3A_349 : memref<100001x64xf32, #tpu.memory_space<hbm>>) target(%dma_start3A_343 : memref<128x64xf32, #tpu.memory_space<vmem>>) offsets(%dma_start3A_346 : memref<128xi32, #tpu.memory_space<vmem>>) semaphore(%dma_start3A_351 : memref<!tpu.dma_semaphore, #tpu.memory_space<semaphore_mem>>)
      %add3A_352 = arith.constant 1 : i32
      %add3A_353 = arith.addi %add3A_281, %add3A_352 : i32
      %dma_wait3A_354 = arith.constant 0 : i32
      %dma_wait3A_355 = arith.constant 1 : i32
      %dma_wait3A_356 = arith.constant 1 : i32
      %dma_wait3A_357 = arith.constant 0 : i32
      %dma_wait3A_358 = arith.constant 0 : i32
      %dma_wait3A_359 = tpu.memref_slice %arg6[%dma_wait3A_355, %dma_wait3A_357, %dma_wait3A_358] : memref<4x128x64xf32, #tpu.memory_space<vmem>> -> memref<1x128x64xf32, #tpu.memory_space<vmem>>
      %dma_wait3A_360 = tpu.memref_squeeze %dma_wait3A_359 : memref<1x128x64xf32, #tpu.memory_space<vmem>> -> memref<128x64xf32, #tpu.memory_space<vmem>>
      %dma_wait3A_361 = arith.constant 0 : i32
      %dma_wait3A_362 = tpu.memref_slice %arg5[%dma_wait3A_354, %dma_wait3A_361] : memref<200x128xi32, #tpu.memory_space<vmem>> -> memref<1x128xi32, #tpu.memory_space<vmem>>
      %dma_wait3A_363 = tpu.memref_squeeze %dma_wait3A_362 : memref<1x128xi32, #tpu.memory_space<vmem>> -> memref<128xi32, #tpu.memory_space<vmem>>
      %dma_wait3A_364 = arith.constant 0 : i32
      %dma_wait3A_365 = arith.constant 0 : i32
      %dma_wait3A_366 = tpu.memref_slice %arg2[%dma_wait3A_364, %dma_wait3A_365] : memref<100001x64xf32, #tpu.memory_space<hbm>> -> memref<100001x64xf32, #tpu.memory_space<hbm>>
      %dma_wait3A_367 = tpu.memref_slice %arg7[%dma_wait3A_356] : memref<4x!tpu.dma_semaphore, #tpu.memory_space<semaphore_mem>> -> memref<1x!tpu.dma_semaphore, #tpu.memory_space<semaphore_mem>>
      %dma_wait3A_368 = tpu.memref_squeeze %dma_wait3A_367 : memref<1x!tpu.dma_semaphore, #tpu.memory_space<semaphore_mem>> -> memref<!tpu.dma_semaphore, #tpu.memory_space<semaphore_mem>>
      tpu.wait_indirect_dma semaphore(%dma_wait3A_368 : memref<!tpu.dma_semaphore, #tpu.memory_space<semaphore_mem>>) src(%dma_wait3A_366 : memref<100001x64xf32, #tpu.memory_space<hbm>>) dst(%dma_wait3A_360 : memref<128x64xf32, #tpu.memory_space<vmem>>)
      %add3A_369 = arith.addi %mul3A_2, %add3A_353 : i32
      %mul3A_370 = arith.constant 128 : i32
      %mul3A_371 = arith.muli %add3A_369, %mul3A_370 : i32
      %dma_start3A_372 = arith.constant 1 : i32
      %dma_start3A_373 = arith.constant 1 : i32
      %dma_start3A_374 = arith.constant 0 : i32
      %dma_start3A_375 = arith.constant 0 : i32
      %dma_start3A_376 = tpu.memref_slice %arg6[%dma_start3A_372, %dma_start3A_374, %dma_start3A_375] : memref<4x128x64xf32, #tpu.memory_space<vmem>> -> memref<1x128x64xf32, #tpu.memory_space<vmem>>
      %dma_start3A_377 = tpu.memref_squeeze %dma_start3A_376 : memref<1x128x64xf32, #tpu.memory_space<vmem>> -> memref<128x64xf32, #tpu.memory_space<vmem>>
      %dma_start3A_378 = arith.constant 0 : i32
      %dma_start3A_379 = tpu.memref_slice %arg4[%mul3A_371, %dma_start3A_378] : memref<819200x64xf32, #tpu.memory_space<hbm>> -> memref<128x64xf32, #tpu.memory_space<hbm>>
      %dma_start3A_380 = tpu.memref_slice %arg8[%dma_start3A_373] : memref<4x!tpu.dma_semaphore, #tpu.memory_space<semaphore_mem>> -> memref<1x!tpu.dma_semaphore, #tpu.memory_space<semaphore_mem>>
      %dma_start3A_381 = tpu.memref_squeeze %dma_start3A_380 : memref<1x!tpu.dma_semaphore, #tpu.memory_space<semaphore_mem>> -> memref<!tpu.dma_semaphore, #tpu.memory_space<semaphore_mem>>
      %dma_start3A_382 = arith.constant 0 : i32
      %dma_start3A_383 = tpu.memref_slice %arg4[%mul3A_371, %dma_start3A_382] : memref<819200x64xf32, #tpu.memory_space<hbm>> -> memref<128x64xf32, #tpu.memory_space<hbm>>
      %dma_start3A_384 = arith.constant 0 : i32
      %dma_start3A_385 = arith.constant 0 : i32
      %dma_start3A_386 = tpu.memref_slice %arg6[%dma_start3A_372, %dma_start3A_384, %dma_start3A_385] : memref<4x128x64xf32, #tpu.memory_space<vmem>> -> memref<1x128x64xf32, #tpu.memory_space<vmem>>
      %dma_start3A_387 = tpu.memref_squeeze %dma_start3A_386 : memref<1x128x64xf32, #tpu.memory_space<vmem>> -> memref<128x64xf32, #tpu.memory_space<vmem>>
      tpu.enqueue_dma source(%dma_start3A_387 : memref<128x64xf32, #tpu.memory_space<vmem>>) target(%dma_start3A_383 : memref<128x64xf32, #tpu.memory_space<hbm>>) target_semaphore(%dma_start3A_381 : memref<!tpu.dma_semaphore, #tpu.memory_space<semaphore_mem>>)
      %dma_wait3A_388 = arith.constant 1 : i32
      %dma_wait3A_389 = arith.constant 1 : i32
      %dma_wait3A_390 = arith.constant 0 : i32
      %dma_wait3A_391 = arith.constant 0 : i32
      %dma_wait3A_392 = tpu.memref_slice %arg6[%dma_wait3A_388, %dma_wait3A_390, %dma_wait3A_391] : memref<4x128x64xf32, #tpu.memory_space<vmem>> -> memref<1x128x64xf32, #tpu.memory_space<vmem>>
      %dma_wait3A_393 = tpu.memref_squeeze %dma_wait3A_392 : memref<1x128x64xf32, #tpu.memory_space<vmem>> -> memref<128x64xf32, #tpu.memory_space<vmem>>
      %dma_wait3A_394 = arith.constant 0 : i32
      %dma_wait3A_395 = arith.constant 0 : i32
      %dma_wait3A_396 = tpu.memref_slice %arg4[%dma_wait3A_394, %dma_wait3A_395] : memref<819200x64xf32, #tpu.memory_space<hbm>> -> memref<128x64xf32, #tpu.memory_space<hbm>>
      %dma_wait3A_397 = tpu.memref_slice %arg8[%dma_wait3A_389] : memref<4x!tpu.dma_semaphore, #tpu.memory_space<semaphore_mem>> -> memref<1x!tpu.dma_semaphore, #tpu.memory_space<semaphore_mem>>
      %dma_wait3A_398 = tpu.memref_squeeze %dma_wait3A_397 : memref<1x!tpu.dma_semaphore, #tpu.memory_space<semaphore_mem>> -> memref<!tpu.dma_semaphore, #tpu.memory_space<semaphore_mem>>
      %dma_wait3A_399 = arith.constant 0 : i32
      %dma_wait3A_400 = arith.constant 0 : i32
      %dma_wait3A_401 = tpu.memref_slice %arg4[%dma_wait3A_399, %dma_wait3A_400] : memref<819200x64xf32, #tpu.memory_space<hbm>> -> memref<128x64xf32, #tpu.memory_space<hbm>>
      %dma_wait3A_402 = arith.constant 0 : i32
      %dma_wait3A_403 = arith.constant 0 : i32
      %dma_wait3A_404 = tpu.memref_slice %arg6[%dma_wait3A_388, %dma_wait3A_402, %dma_wait3A_403] : memref<4x128x64xf32, #tpu.memory_space<vmem>> -> memref<1x128x64xf32, #tpu.memory_space<vmem>>
      %dma_wait3A_405 = tpu.memref_squeeze %dma_wait3A_404 : memref<1x128x64xf32, #tpu.memory_space<vmem>> -> memref<128x64xf32, #tpu.memory_space<vmem>>
      tpu.wait_dma2 semaphore(%dma_wait3A_398 : memref<!tpu.dma_semaphore, #tpu.memory_space<semaphore_mem>>) src(%dma_wait3A_405 : memref<128x64xf32, #tpu.memory_space<vmem>>) dst(%dma_wait3A_401 : memref<128x64xf32, #tpu.memory_space<hbm>>)
      %add3A_406 = arith.constant 4 : i32
      %add3A_407 = arith.addi %add3A_353, %add3A_406 : i32
      %dma_start3A_408 = arith.constant 1 : i32
      %dma_start3A_409 = arith.constant 1 : i32
      %dma_start3A_410 = arith.constant 0 : i32
      %dma_start3A_411 = arith.constant 0 : i32
      %dma_start3A_412 = tpu.memref_slice %arg6[%dma_start3A_408, %dma_start3A_410, %dma_start3A_411] : memref<4x128x64xf32, #tpu.memory_space<vmem>> -> memref<1x128x64xf32, #tpu.memory_space<vmem>>
      %dma_start3A_413 = tpu.memref_squeeze %dma_start3A_412 : memref<1x128x64xf32, #tpu.memory_space<vmem>> -> memref<128x64xf32, #tpu.memory_space<vmem>>
      %dma_start3A_414 = arith.constant 0 : i32
      %dma_start3A_415 = tpu.memref_slice %arg5[%add3A_407, %dma_start3A_414] : memref<200x128xi32, #tpu.memory_space<vmem>> -> memref<1x128xi32, #tpu.memory_space<vmem>>
      %dma_start3A_416 = tpu.memref_squeeze %dma_start3A_415 : memref<1x128xi32, #tpu.memory_space<vmem>> -> memref<128xi32, #tpu.memory_space<vmem>>
      %dma_start3A_417 = arith.constant 0 : i32
      %dma_start3A_418 = arith.constant 0 : i32
      %dma_start3A_419 = tpu.memref_slice %arg2[%dma_start3A_417, %dma_start3A_418] : memref<100001x64xf32, #tpu.memory_space<hbm>> -> memref<100001x64xf32, #tpu.memory_space<hbm>>
      %dma_start3A_420 = tpu.memref_slice %arg7[%dma_start3A_409] : memref<4x!tpu.dma_semaphore, #tpu.memory_space<semaphore_mem>> -> memref<1x!tpu.dma_semaphore, #tpu.memory_space<semaphore_mem>>
      %dma_start3A_421 = tpu.memref_squeeze %dma_start3A_420 : memref<1x!tpu.dma_semaphore, #tpu.memory_space<semaphore_mem>> -> memref<!tpu.dma_semaphore, #tpu.memory_space<semaphore_mem>>
      tpu.enqueue_indirect_dma source(%dma_start3A_419 : memref<100001x64xf32, #tpu.memory_space<hbm>>) target(%dma_start3A_413 : memref<128x64xf32, #tpu.memory_space<vmem>>) offsets(%dma_start3A_416 : memref<128xi32, #tpu.memory_space<vmem>>) semaphore(%dma_start3A_421 : memref<!tpu.dma_semaphore, #tpu.memory_space<semaphore_mem>>)
      %add3A_422 = arith.constant 2 : i32
      %add3A_423 = arith.addi %add3A_281, %add3A_422 : i32
      %dma_wait3A_424 = arith.constant 0 : i32
      %dma_wait3A_425 = arith.constant 2 : i32
      %dma_wait3A_426 = arith.constant 2 : i32
      %dma_wait3A_427 = arith.constant 0 : i32
      %dma_wait3A_428 = arith.constant 0 : i32
      %dma_wait3A_429 = tpu.memref_slice %arg6[%dma_wait3A_425, %dma_wait3A_427, %dma_wait3A_428] : memref<4x128x64xf32, #tpu.memory_space<vmem>> -> memref<1x128x64xf32, #tpu.memory_space<vmem>>
      %dma_wait3A_430 = tpu.memref_squeeze %dma_wait3A_429 : memref<1x128x64xf32, #tpu.memory_space<vmem>> -> memref<128x64xf32, #tpu.memory_space<vmem>>
      %dma_wait3A_431 = arith.constant 0 : i32
      %dma_wait3A_432 = tpu.memref_slice %arg5[%dma_wait3A_424, %dma_wait3A_431] : memref<200x128xi32, #tpu.memory_space<vmem>> -> memref<1x128xi32, #tpu.memory_space<vmem>>
      %dma_wait3A_433 = tpu.memref_squeeze %dma_wait3A_432 : memref<1x128xi32, #tpu.memory_space<vmem>> -> memref<128xi32, #tpu.memory_space<vmem>>
      %dma_wait3A_434 = arith.constant 0 : i32
      %dma_wait3A_435 = arith.constant 0 : i32
      %dma_wait3A_436 = tpu.memref_slice %arg2[%dma_wait3A_434, %dma_wait3A_435] : memref<100001x64xf32, #tpu.memory_space<hbm>> -> memref<100001x64xf32, #tpu.memory_space<hbm>>
      %dma_wait3A_437 = tpu.memref_slice %arg7[%dma_wait3A_426] : memref<4x!tpu.dma_semaphore, #tpu.memory_space<semaphore_mem>> -> memref<1x!tpu.dma_semaphore, #tpu.memory_space<semaphore_mem>>
      %dma_wait3A_438 = tpu.memref_squeeze %dma_wait3A_437 : memref<1x!tpu.dma_semaphore, #tpu.memory_space<semaphore_mem>> -> memref<!tpu.dma_semaphore, #tpu.memory_space<semaphore_mem>>
      tpu.wait_indirect_dma semaphore(%dma_wait3A_438 : memref<!tpu.dma_semaphore, #tpu.memory_space<semaphore_mem>>) src(%dma_wait3A_436 : memref<100001x64xf32, #tpu.memory_space<hbm>>) dst(%dma_wait3A_430 : memref<128x64xf32, #tpu.memory_space<vmem>>)
      %add3A_439 = arith.addi %mul3A_2, %add3A_423 : i32
      %mul3A_440 = arith.constant 128 : i32
      %mul3A_441 = arith.muli %add3A_439, %mul3A_440 : i32
      %dma_start3A_442 = arith.constant 2 : i32
      %dma_start3A_443 = arith.constant 2 : i32
      %dma_start3A_444 = arith.constant 0 : i32
      %dma_start3A_445 = arith.constant 0 : i32
      %dma_start3A_446 = tpu.memref_slice %arg6[%dma_start3A_442, %dma_start3A_444, %dma_start3A_445] : memref<4x128x64xf32, #tpu.memory_space<vmem>> -> memref<1x128x64xf32, #tpu.memory_space<vmem>>
      %dma_start3A_447 = tpu.memref_squeeze %dma_start3A_446 : memref<1x128x64xf32, #tpu.memory_space<vmem>> -> memref<128x64xf32, #tpu.memory_space<vmem>>
      %dma_start3A_448 = arith.constant 0 : i32
      %dma_start3A_449 = tpu.memref_slice %arg4[%mul3A_441, %dma_start3A_448] : memref<819200x64xf32, #tpu.memory_space<hbm>> -> memref<128x64xf32, #tpu.memory_space<hbm>>
      %dma_start3A_450 = tpu.memref_slice %arg8[%dma_start3A_443] : memref<4x!tpu.dma_semaphore, #tpu.memory_space<semaphore_mem>> -> memref<1x!tpu.dma_semaphore, #tpu.memory_space<semaphore_mem>>
      %dma_start3A_451 = tpu.memref_squeeze %dma_start3A_450 : memref<1x!tpu.dma_semaphore, #tpu.memory_space<semaphore_mem>> -> memref<!tpu.dma_semaphore, #tpu.memory_space<semaphore_mem>>
      %dma_start3A_452 = arith.constant 0 : i32
      %dma_start3A_453 = tpu.memref_slice %arg4[%mul3A_441, %dma_start3A_452] : memref<819200x64xf32, #tpu.memory_space<hbm>> -> memref<128x64xf32, #tpu.memory_space<hbm>>
      %dma_start3A_454 = arith.constant 0 : i32
      %dma_start3A_455 = arith.constant 0 : i32
      %dma_start3A_456 = tpu.memref_slice %arg6[%dma_start3A_442, %dma_start3A_454, %dma_start3A_455] : memref<4x128x64xf32, #tpu.memory_space<vmem>> -> memref<1x128x64xf32, #tpu.memory_space<vmem>>
      %dma_start3A_457 = tpu.memref_squeeze %dma_start3A_456 : memref<1x128x64xf32, #tpu.memory_space<vmem>> -> memref<128x64xf32, #tpu.memory_space<vmem>>
      tpu.enqueue_dma source(%dma_start3A_457 : memref<128x64xf32, #tpu.memory_space<vmem>>) target(%dma_start3A_453 : memref<128x64xf32, #tpu.memory_space<hbm>>) target_semaphore(%dma_start3A_451 : memref<!tpu.dma_semaphore, #tpu.memory_space<semaphore_mem>>)
      %dma_wait3A_458 = arith.constant 2 : i32
      %dma_wait3A_459 = arith.constant 2 : i32
      %dma_wait3A_460 = arith.constant 0 : i32
      %dma_wait3A_461 = arith.constant 0 : i32
      %dma_wait3A_462 = tpu.memref_slice %arg6[%dma_wait3A_458, %dma_wait3A_460, %dma_wait3A_461] : memref<4x128x64xf32, #tpu.memory_space<vmem>> -> memref<1x128x64xf32, #tpu.memory_space<vmem>>
      %dma_wait3A_463 = tpu.memref_squeeze %dma_wait3A_462 : memref<1x128x64xf32, #tpu.memory_space<vmem>> -> memref<128x64xf32, #tpu.memory_space<vmem>>
      %dma_wait3A_464 = arith.constant 0 : i32
      %dma_wait3A_465 = arith.constant 0 : i32
      %dma_wait3A_466 = tpu.memref_slice %arg4[%dma_wait3A_464, %dma_wait3A_465] : memref<819200x64xf32, #tpu.memory_space<hbm>> -> memref<128x64xf32, #tpu.memory_space<hbm>>
      %dma_wait3A_467 = tpu.memref_slice %arg8[%dma_wait3A_459] : memref<4x!tpu.dma_semaphore, #tpu.memory_space<semaphore_mem>> -> memref<1x!tpu.dma_semaphore, #tpu.memory_space<semaphore_mem>>
      %dma_wait3A_468 = tpu.memref_squeeze %dma_wait3A_467 : memref<1x!tpu.dma_semaphore, #tpu.memory_space<semaphore_mem>> -> memref<!tpu.dma_semaphore, #tpu.memory_space<semaphore_mem>>
      %dma_wait3A_469 = arith.constant 0 : i32
      %dma_wait3A_470 = arith.constant 0 : i32
      %dma_wait3A_471 = tpu.memref_slice %arg4[%dma_wait3A_469, %dma_wait3A_470] : memref<819200x64xf32, #tpu.memory_space<hbm>> -> memref<128x64xf32, #tpu.memory_space<hbm>>
      %dma_wait3A_472 = arith.constant 0 : i32
      %dma_wait3A_473 = arith.constant 0 : i32
      %dma_wait3A_474 = tpu.memref_slice %arg6[%dma_wait3A_458, %dma_wait3A_472, %dma_wait3A_473] : memref<4x128x64xf32, #tpu.memory_space<vmem>> -> memref<1x128x64xf32, #tpu.memory_space<vmem>>
      %dma_wait3A_475 = tpu.memref_squeeze %dma_wait3A_474 : memref<1x128x64xf32, #tpu.memory_space<vmem>> -> memref<128x64xf32, #tpu.memory_space<vmem>>
      tpu.wait_dma2 semaphore(%dma_wait3A_468 : memref<!tpu.dma_semaphore, #tpu.memory_space<semaphore_mem>>) src(%dma_wait3A_475 : memref<128x64xf32, #tpu.memory_space<vmem>>) dst(%dma_wait3A_471 : memref<128x64xf32, #tpu.memory_space<hbm>>)
      %add3A_476 = arith.constant 4 : i32
      %add3A_477 = arith.addi %add3A_423, %add3A_476 : i32
      %dma_start3A_478 = arith.constant 2 : i32
      %dma_start3A_479 = arith.constant 2 : i32
      %dma_start3A_480 = arith.constant 0 : i32
      %dma_start3A_481 = arith.constant 0 : i32
      %dma_start3A_482 = tpu.memref_slice %arg6[%dma_start3A_478, %dma_start3A_480, %dma_start3A_481] : memref<4x128x64xf32, #tpu.memory_space<vmem>> -> memref<1x128x64xf32, #tpu.memory_space<vmem>>
      %dma_start3A_483 = tpu.memref_squeeze %dma_start3A_482 : memref<1x128x64xf32, #tpu.memory_space<vmem>> -> memref<128x64xf32, #tpu.memory_space<vmem>>
      %dma_start3A_484 = arith.constant 0 : i32
      %dma_start3A_485 = tpu.memref_slice %arg5[%add3A_477, %dma_start3A_484] : memref<200x128xi32, #tpu.memory_space<vmem>> -> memref<1x128xi32, #tpu.memory_space<vmem>>
      %dma_start3A_486 = tpu.memref_squeeze %dma_start3A_485 : memref<1x128xi32, #tpu.memory_space<vmem>> -> memref<128xi32, #tpu.memory_space<vmem>>
      %dma_start3A_487 = arith.constant 0 : i32
      %dma_start3A_488 = arith.constant 0 : i32
      %dma_start3A_489 = tpu.memref_slice %arg2[%dma_start3A_487, %dma_start3A_488] : memref<100001x64xf32, #tpu.memory_space<hbm>> -> memref<100001x64xf32, #tpu.memory_space<hbm>>
      %dma_start3A_490 = tpu.memref_slice %arg7[%dma_start3A_479] : memref<4x!tpu.dma_semaphore, #tpu.memory_space<semaphore_mem>> -> memref<1x!tpu.dma_semaphore, #tpu.memory_space<semaphore_mem>>
      %dma_start3A_491 = tpu.memref_squeeze %dma_start3A_490 : memref<1x!tpu.dma_semaphore, #tpu.memory_space<semaphore_mem>> -> memref<!tpu.dma_semaphore, #tpu.memory_space<semaphore_mem>>
      tpu.enqueue_indirect_dma source(%dma_start3A_489 : memref<100001x64xf32, #tpu.memory_space<hbm>>) target(%dma_start3A_483 : memref<128x64xf32, #tpu.memory_space<vmem>>) offsets(%dma_start3A_486 : memref<128xi32, #tpu.memory_space<vmem>>) semaphore(%dma_start3A_491 : memref<!tpu.dma_semaphore, #tpu.memory_space<semaphore_mem>>)
      %add3A_492 = arith.constant 3 : i32
      %add3A_493 = arith.addi %add3A_281, %add3A_492 : i32
      %dma_wait3A_494 = arith.constant 0 : i32
      %dma_wait3A_495 = arith.constant 3 : i32
      %dma_wait3A_496 = arith.constant 3 : i32
      %dma_wait3A_497 = arith.constant 0 : i32
      %dma_wait3A_498 = arith.constant 0 : i32
      %dma_wait3A_499 = tpu.memref_slice %arg6[%dma_wait3A_495, %dma_wait3A_497, %dma_wait3A_498] : memref<4x128x64xf32, #tpu.memory_space<vmem>> -> memref<1x128x64xf32, #tpu.memory_space<vmem>>
      %dma_wait3A_500 = tpu.memref_squeeze %dma_wait3A_499 : memref<1x128x64xf32, #tpu.memory_space<vmem>> -> memref<128x64xf32, #tpu.memory_space<vmem>>
      %dma_wait3A_501 = arith.constant 0 : i32
      %dma_wait3A_502 = tpu.memref_slice %arg5[%dma_wait3A_494, %dma_wait3A_501] : memref<200x128xi32, #tpu.memory_space<vmem>> -> memref<1x128xi32, #tpu.memory_space<vmem>>
      %dma_wait3A_503 = tpu.memref_squeeze %dma_wait3A_502 : memref<1x128xi32, #tpu.memory_space<vmem>> -> memref<128xi32, #tpu.memory_space<vmem>>
      %dma_wait3A_504 = arith.constant 0 : i32
      %dma_wait3A_505 = arith.constant 0 : i32
      %dma_wait3A_506 = tpu.memref_slice %arg2[%dma_wait3A_504, %dma_wait3A_505] : memref<100001x64xf32, #tpu.memory_space<hbm>> -> memref<100001x64xf32, #tpu.memory_space<hbm>>
      %dma_wait3A_507 = tpu.memref_slice %arg7[%dma_wait3A_496] : memref<4x!tpu.dma_semaphore, #tpu.memory_space<semaphore_mem>> -> memref<1x!tpu.dma_semaphore, #tpu.memory_space<semaphore_mem>>
      %dma_wait3A_508 = tpu.memref_squeeze %dma_wait3A_507 : memref<1x!tpu.dma_semaphore, #tpu.memory_space<semaphore_mem>> -> memref<!tpu.dma_semaphore, #tpu.memory_space<semaphore_mem>>
      tpu.wait_indirect_dma semaphore(%dma_wait3A_508 : memref<!tpu.dma_semaphore, #tpu.memory_space<semaphore_mem>>) src(%dma_wait3A_506 : memref<100001x64xf32, #tpu.memory_space<hbm>>) dst(%dma_wait3A_500 : memref<128x64xf32, #tpu.memory_space<vmem>>)
      %add3A_509 = arith.addi %mul3A_2, %add3A_493 : i32
      %mul3A_510 = arith.constant 128 : i32
      %mul3A_511 = arith.muli %add3A_509, %mul3A_510 : i32
      %dma_start3A_512 = arith.constant 3 : i32
      %dma_start3A_513 = arith.constant 3 : i32
      %dma_start3A_514 = arith.constant 0 : i32
      %dma_start3A_515 = arith.constant 0 : i32
      %dma_start3A_516 = tpu.memref_slice %arg6[%dma_start3A_512, %dma_start3A_514, %dma_start3A_515] : memref<4x128x64xf32, #tpu.memory_space<vmem>> -> memref<1x128x64xf32, #tpu.memory_space<vmem>>
      %dma_start3A_517 = tpu.memref_squeeze %dma_start3A_516 : memref<1x128x64xf32, #tpu.memory_space<vmem>> -> memref<128x64xf32, #tpu.memory_space<vmem>>
      %dma_start3A_518 = arith.constant 0 : i32
      %dma_start3A_519 = tpu.memref_slice %arg4[%mul3A_511, %dma_start3A_518] : memref<819200x64xf32, #tpu.memory_space<hbm>> -> memref<128x64xf32, #tpu.memory_space<hbm>>
      %dma_start3A_520 = tpu.memref_slice %arg8[%dma_start3A_513] : memref<4x!tpu.dma_semaphore, #tpu.memory_space<semaphore_mem>> -> memref<1x!tpu.dma_semaphore, #tpu.memory_space<semaphore_mem>>
      %dma_start3A_521 = tpu.memref_squeeze %dma_start3A_520 : memref<1x!tpu.dma_semaphore, #tpu.memory_space<semaphore_mem>> -> memref<!tpu.dma_semaphore, #tpu.memory_space<semaphore_mem>>
      %dma_start3A_522 = arith.constant 0 : i32
      %dma_start3A_523 = tpu.memref_slice %arg4[%mul3A_511, %dma_start3A_522] : memref<819200x64xf32, #tpu.memory_space<hbm>> -> memref<128x64xf32, #tpu.memory_space<hbm>>
      %dma_start3A_524 = arith.constant 0 : i32
      %dma_start3A_525 = arith.constant 0 : i32
      %dma_start3A_526 = tpu.memref_slice %arg6[%dma_start3A_512, %dma_start3A_524, %dma_start3A_525] : memref<4x128x64xf32, #tpu.memory_space<vmem>> -> memref<1x128x64xf32, #tpu.memory_space<vmem>>
      %dma_start3A_527 = tpu.memref_squeeze %dma_start3A_526 : memref<1x128x64xf32, #tpu.memory_space<vmem>> -> memref<128x64xf32, #tpu.memory_space<vmem>>
      tpu.enqueue_dma source(%dma_start3A_527 : memref<128x64xf32, #tpu.memory_space<vmem>>) target(%dma_start3A_523 : memref<128x64xf32, #tpu.memory_space<hbm>>) target_semaphore(%dma_start3A_521 : memref<!tpu.dma_semaphore, #tpu.memory_space<semaphore_mem>>)
      %dma_wait3A_528 = arith.constant 3 : i32
      %dma_wait3A_529 = arith.constant 3 : i32
      %dma_wait3A_530 = arith.constant 0 : i32
      %dma_wait3A_531 = arith.constant 0 : i32
      %dma_wait3A_532 = tpu.memref_slice %arg6[%dma_wait3A_528, %dma_wait3A_530, %dma_wait3A_531] : memref<4x128x64xf32, #tpu.memory_space<vmem>> -> memref<1x128x64xf32, #tpu.memory_space<vmem>>
      %dma_wait3A_533 = tpu.memref_squeeze %dma_wait3A_532 : memref<1x128x64xf32, #tpu.memory_space<vmem>> -> memref<128x64xf32, #tpu.memory_space<vmem>>
      %dma_wait3A_534 = arith.constant 0 : i32
      %dma_wait3A_535 = arith.constant 0 : i32
      %dma_wait3A_536 = tpu.memref_slice %arg4[%dma_wait3A_534, %dma_wait3A_535] : memref<819200x64xf32, #tpu.memory_space<hbm>> -> memref<128x64xf32, #tpu.memory_space<hbm>>
      %dma_wait3A_537 = tpu.memref_slice %arg8[%dma_wait3A_529] : memref<4x!tpu.dma_semaphore, #tpu.memory_space<semaphore_mem>> -> memref<1x!tpu.dma_semaphore, #tpu.memory_space<semaphore_mem>>
      %dma_wait3A_538 = tpu.memref_squeeze %dma_wait3A_537 : memref<1x!tpu.dma_semaphore, #tpu.memory_space<semaphore_mem>> -> memref<!tpu.dma_semaphore, #tpu.memory_space<semaphore_mem>>
      %dma_wait3A_539 = arith.constant 0 : i32
      %dma_wait3A_540 = arith.constant 0 : i32
      %dma_wait3A_541 = tpu.memref_slice %arg4[%dma_wait3A_539, %dma_wait3A_540] : memref<819200x64xf32, #tpu.memory_space<hbm>> -> memref<128x64xf32, #tpu.memory_space<hbm>>
      %dma_wait3A_542 = arith.constant 0 : i32
      %dma_wait3A_543 = arith.constant 0 : i32
      %dma_wait3A_544 = tpu.memref_slice %arg6[%dma_wait3A_528, %dma_wait3A_542, %dma_wait3A_543] : memref<4x128x64xf32, #tpu.memory_space<vmem>> -> memref<1x128x64xf32, #tpu.memory_space<vmem>>
      %dma_wait3A_545 = tpu.memref_squeeze %dma_wait3A_544 : memref<1x128x64xf32, #tpu.memory_space<vmem>> -> memref<128x64xf32, #tpu.memory_space<vmem>>
      tpu.wait_dma2 semaphore(%dma_wait3A_538 : memref<!tpu.dma_semaphore, #tpu.memory_space<semaphore_mem>>) src(%dma_wait3A_545 : memref<128x64xf32, #tpu.memory_space<vmem>>) dst(%dma_wait3A_541 : memref<128x64xf32, #tpu.memory_space<hbm>>)
      %add3A_546 = arith.constant 4 : i32
      %add3A_547 = arith.addi %add3A_493, %add3A_546 : i32
      %dma_start3A_548 = arith.constant 3 : i32
      %dma_start3A_549 = arith.constant 3 : i32
      %dma_start3A_550 = arith.constant 0 : i32
      %dma_start3A_551 = arith.constant 0 : i32
      %dma_start3A_552 = tpu.memref_slice %arg6[%dma_start3A_548, %dma_start3A_550, %dma_start3A_551] : memref<4x128x64xf32, #tpu.memory_space<vmem>> -> memref<1x128x64xf32, #tpu.memory_space<vmem>>
      %dma_start3A_553 = tpu.memref_squeeze %dma_start3A_552 : memref<1x128x64xf32, #tpu.memory_space<vmem>> -> memref<128x64xf32, #tpu.memory_space<vmem>>
      %dma_start3A_554 = arith.constant 0 : i32
      %dma_start3A_555 = tpu.memref_slice %arg5[%add3A_547, %dma_start3A_554] : memref<200x128xi32, #tpu.memory_space<vmem>> -> memref<1x128xi32, #tpu.memory_space<vmem>>
      %dma_start3A_556 = tpu.memref_squeeze %dma_start3A_555 : memref<1x128xi32, #tpu.memory_space<vmem>> -> memref<128xi32, #tpu.memory_space<vmem>>
      %dma_start3A_557 = arith.constant 0 : i32
      %dma_start3A_558 = arith.constant 0 : i32
      %dma_start3A_559 = tpu.memref_slice %arg2[%dma_start3A_557, %dma_start3A_558] : memref<100001x64xf32, #tpu.memory_space<hbm>> -> memref<100001x64xf32, #tpu.memory_space<hbm>>
      %dma_start3A_560 = tpu.memref_slice %arg7[%dma_start3A_549] : memref<4x!tpu.dma_semaphore, #tpu.memory_space<semaphore_mem>> -> memref<1x!tpu.dma_semaphore, #tpu.memory_space<semaphore_mem>>
      %dma_start3A_561 = tpu.memref_squeeze %dma_start3A_560 : memref<1x!tpu.dma_semaphore, #tpu.memory_space<semaphore_mem>> -> memref<!tpu.dma_semaphore, #tpu.memory_space<semaphore_mem>>
      tpu.enqueue_indirect_dma source(%dma_start3A_559 : memref<100001x64xf32, #tpu.memory_space<hbm>>) target(%dma_start3A_553 : memref<128x64xf32, #tpu.memory_space<vmem>>) offsets(%dma_start3A_556 : memref<128xi32, #tpu.memory_space<vmem>>) semaphore(%dma_start3A_561 : memref<!tpu.dma_semaphore, #tpu.memory_space<semaphore_mem>>)
    }
    %scan3A_65 = arith.constant 49 : i32
    %dma_wait3A = arith.constant 0 : i32
    %dma_wait3A_66 = arith.constant 0 : i32
    %dma_wait3A_67 = arith.constant 0 : i32
    %dma_wait3A_68 = arith.constant 0 : i32
    %dma_wait3A_69 = arith.constant 0 : i32
    %dma_wait3A_70 = tpu.memref_slice %arg6[%dma_wait3A_66, %dma_wait3A_68, %dma_wait3A_69] : memref<4x128x64xf32, #tpu.memory_space<vmem>> -> memref<1x128x64xf32, #tpu.memory_space<vmem>>
    %dma_wait3A_71 = tpu.memref_squeeze %dma_wait3A_70 : memref<1x128x64xf32, #tpu.memory_space<vmem>> -> memref<128x64xf32, #tpu.memory_space<vmem>>
    %dma_wait3A_72 = arith.constant 0 : i32
    %dma_wait3A_73 = tpu.memref_slice %arg5[%dma_wait3A, %dma_wait3A_72] : memref<200x128xi32, #tpu.memory_space<vmem>> -> memref<1x128xi32, #tpu.memory_space<vmem>>
    %dma_wait3A_74 = tpu.memref_squeeze %dma_wait3A_73 : memref<1x128xi32, #tpu.memory_space<vmem>> -> memref<128xi32, #tpu.memory_space<vmem>>
    %dma_wait3A_75 = arith.constant 0 : i32
    %dma_wait3A_76 = arith.constant 0 : i32
    %dma_wait3A_77 = tpu.memref_slice %arg2[%dma_wait3A_75, %dma_wait3A_76] : memref<100001x64xf32, #tpu.memory_space<hbm>> -> memref<100001x64xf32, #tpu.memory_space<hbm>>
    %dma_wait3A_78 = tpu.memref_slice %arg7[%dma_wait3A_67] : memref<4x!tpu.dma_semaphore, #tpu.memory_space<semaphore_mem>> -> memref<1x!tpu.dma_semaphore, #tpu.memory_space<semaphore_mem>>
    %dma_wait3A_79 = tpu.memref_squeeze %dma_wait3A_78 : memref<1x!tpu.dma_semaphore, #tpu.memory_space<semaphore_mem>> -> memref<!tpu.dma_semaphore, #tpu.memory_space<semaphore_mem>>
    tpu.wait_indirect_dma semaphore(%dma_wait3A_79 : memref<!tpu.dma_semaphore, #tpu.memory_space<semaphore_mem>>) src(%dma_wait3A_77 : memref<100001x64xf32, #tpu.memory_space<hbm>>) dst(%dma_wait3A_71 : memref<128x64xf32, #tpu.memory_space<vmem>>)
    %add3A_80 = arith.constant 196 : i32
    %add3A_81 = arith.addi %mul3A_2, %add3A_80 : i32
    %mul3A_82 = arith.constant 128 : i32
    %mul3A_83 = arith.muli %add3A_81, %mul3A_82 : i32
    %dma_start3A_84 = arith.constant 0 : i32
    %dma_start3A_85 = arith.constant 0 : i32
    %dma_start3A_86 = arith.constant 0 : i32
    %dma_start3A_87 = arith.constant 0 : i32
    %dma_start3A_88 = tpu.memref_slice %arg6[%dma_start3A_84, %dma_start3A_86, %dma_start3A_87] : memref<4x128x64xf32, #tpu.memory_space<vmem>> -> memref<1x128x64xf32, #tpu.memory_space<vmem>>
    %dma_start3A_89 = tpu.memref_squeeze %dma_start3A_88 : memref<1x128x64xf32, #tpu.memory_space<vmem>> -> memref<128x64xf32, #tpu.memory_space<vmem>>
    %dma_start3A_90 = arith.constant 0 : i32
    %dma_start3A_91 = tpu.memref_slice %arg4[%mul3A_83, %dma_start3A_90] : memref<819200x64xf32, #tpu.memory_space<hbm>> -> memref<128x64xf32, #tpu.memory_space<hbm>>
    %dma_start3A_92 = tpu.memref_slice %arg8[%dma_start3A_85] : memref<4x!tpu.dma_semaphore, #tpu.memory_space<semaphore_mem>> -> memref<1x!tpu.dma_semaphore, #tpu.memory_space<semaphore_mem>>
    %dma_start3A_93 = tpu.memref_squeeze %dma_start3A_92 : memref<1x!tpu.dma_semaphore, #tpu.memory_space<semaphore_mem>> -> memref<!tpu.dma_semaphore, #tpu.memory_space<semaphore_mem>>
    %dma_start3A_94 = arith.constant 0 : i32
    %dma_start3A_95 = tpu.memref_slice %arg4[%mul3A_83, %dma_start3A_94] : memref<819200x64xf32, #tpu.memory_space<hbm>> -> memref<128x64xf32, #tpu.memory_space<hbm>>
    %dma_start3A_96 = arith.constant 0 : i32
    %dma_start3A_97 = arith.constant 0 : i32
    %dma_start3A_98 = tpu.memref_slice %arg6[%dma_start3A_84, %dma_start3A_96, %dma_start3A_97] : memref<4x128x64xf32, #tpu.memory_space<vmem>> -> memref<1x128x64xf32, #tpu.memory_space<vmem>>
    %dma_start3A_99 = tpu.memref_squeeze %dma_start3A_98 : memref<1x128x64xf32, #tpu.memory_space<vmem>> -> memref<128x64xf32, #tpu.memory_space<vmem>>
    tpu.enqueue_dma source(%dma_start3A_99 : memref<128x64xf32, #tpu.memory_space<vmem>>) target(%dma_start3A_95 : memref<128x64xf32, #tpu.memory_space<hbm>>) target_semaphore(%dma_start3A_93 : memref<!tpu.dma_semaphore, #tpu.memory_space<semaphore_mem>>)
    %dma_wait3A_100 = arith.constant 0 : i32
    %dma_wait3A_101 = arith.constant 1 : i32
    %dma_wait3A_102 = arith.constant 1 : i32
    %dma_wait3A_103 = arith.constant 0 : i32
    %dma_wait3A_104 = arith.constant 0 : i32
    %dma_wait3A_105 = tpu.memref_slice %arg6[%dma_wait3A_101, %dma_wait3A_103, %dma_wait3A_104] : memref<4x128x64xf32, #tpu.memory_space<vmem>> -> memref<1x128x64xf32, #tpu.memory_space<vmem>>
    %dma_wait3A_106 = tpu.memref_squeeze %dma_wait3A_105 : memref<1x128x64xf32, #tpu.memory_space<vmem>> -> memref<128x64xf32, #tpu.memory_space<vmem>>
    %dma_wait3A_107 = arith.constant 0 : i32
    %dma_wait3A_108 = tpu.memref_slice %arg5[%dma_wait3A_100, %dma_wait3A_107] : memref<200x128xi32, #tpu.memory_space<vmem>> -> memref<1x128xi32, #tpu.memory_space<vmem>>
    %dma_wait3A_109 = tpu.memref_squeeze %dma_wait3A_108 : memref<1x128xi32, #tpu.memory_space<vmem>> -> memref<128xi32, #tpu.memory_space<vmem>>
    %dma_wait3A_110 = arith.constant 0 : i32
    %dma_wait3A_111 = arith.constant 0 : i32
    %dma_wait3A_112 = tpu.memref_slice %arg2[%dma_wait3A_110, %dma_wait3A_111] : memref<100001x64xf32, #tpu.memory_space<hbm>> -> memref<100001x64xf32, #tpu.memory_space<hbm>>
    %dma_wait3A_113 = tpu.memref_slice %arg7[%dma_wait3A_102] : memref<4x!tpu.dma_semaphore, #tpu.memory_space<semaphore_mem>> -> memref<1x!tpu.dma_semaphore, #tpu.memory_space<semaphore_mem>>
    %dma_wait3A_114 = tpu.memref_squeeze %dma_wait3A_113 : memref<1x!tpu.dma_semaphore, #tpu.memory_space<semaphore_mem>> -> memref<!tpu.dma_semaphore, #tpu.memory_space<semaphore_mem>>
    tpu.wait_indirect_dma semaphore(%dma_wait3A_114 : memref<!tpu.dma_semaphore, #tpu.memory_space<semaphore_mem>>) src(%dma_wait3A_112 : memref<100001x64xf32, #tpu.memory_space<hbm>>) dst(%dma_wait3A_106 : memref<128x64xf32, #tpu.memory_space<vmem>>)
    %add3A_115 = arith.constant 197 : i32
    %add3A_116 = arith.addi %mul3A_2, %add3A_115 : i32
    %mul3A_117 = arith.constant 128 : i32
    %mul3A_118 = arith.muli %add3A_116, %mul3A_117 : i32
    %dma_start3A_119 = arith.constant 1 : i32
    %dma_start3A_120 = arith.constant 1 : i32
    %dma_start3A_121 = arith.constant 0 : i32
    %dma_start3A_122 = arith.constant 0 : i32
    %dma_start3A_123 = tpu.memref_slice %arg6[%dma_start3A_119, %dma_start3A_121, %dma_start3A_122] : memref<4x128x64xf32, #tpu.memory_space<vmem>> -> memref<1x128x64xf32, #tpu.memory_space<vmem>>
    %dma_start3A_124 = tpu.memref_squeeze %dma_start3A_123 : memref<1x128x64xf32, #tpu.memory_space<vmem>> -> memref<128x64xf32, #tpu.memory_space<vmem>>
    %dma_start3A_125 = arith.constant 0 : i32
    %dma_start3A_126 = tpu.memref_slice %arg4[%mul3A_118, %dma_start3A_125] : memref<819200x64xf32, #tpu.memory_space<hbm>> -> memref<128x64xf32, #tpu.memory_space<hbm>>
    %dma_start3A_127 = tpu.memref_slice %arg8[%dma_start3A_120] : memref<4x!tpu.dma_semaphore, #tpu.memory_space<semaphore_mem>> -> memref<1x!tpu.dma_semaphore, #tpu.memory_space<semaphore_mem>>
    %dma_start3A_128 = tpu.memref_squeeze %dma_start3A_127 : memref<1x!tpu.dma_semaphore, #tpu.memory_space<semaphore_mem>> -> memref<!tpu.dma_semaphore, #tpu.memory_space<semaphore_mem>>
    %dma_start3A_129 = arith.constant 0 : i32
    %dma_start3A_130 = tpu.memref_slice %arg4[%mul3A_118, %dma_start3A_129] : memref<819200x64xf32, #tpu.memory_space<hbm>> -> memref<128x64xf32, #tpu.memory_space<hbm>>
    %dma_start3A_131 = arith.constant 0 : i32
    %dma_start3A_132 = arith.constant 0 : i32
    %dma_start3A_133 = tpu.memref_slice %arg6[%dma_start3A_119, %dma_start3A_131, %dma_start3A_132] : memref<4x128x64xf32, #tpu.memory_space<vmem>> -> memref<1x128x64xf32, #tpu.memory_space<vmem>>
    %dma_start3A_134 = tpu.memref_squeeze %dma_start3A_133 : memref<1x128x64xf32, #tpu.memory_space<vmem>> -> memref<128x64xf32, #tpu.memory_space<vmem>>
    tpu.enqueue_dma source(%dma_start3A_134 : memref<128x64xf32, #tpu.memory_space<vmem>>) target(%dma_start3A_130 : memref<128x64xf32, #tpu.memory_space<hbm>>) target_semaphore(%dma_start3A_128 : memref<!tpu.dma_semaphore, #tpu.memory_space<semaphore_mem>>)
    %dma_wait3A_135 = arith.constant 0 : i32
    %dma_wait3A_136 = arith.constant 2 : i32
    %dma_wait3A_137 = arith.constant 2 : i32
    %dma_wait3A_138 = arith.constant 0 : i32
    %dma_wait3A_139 = arith.constant 0 : i32
    %dma_wait3A_140 = tpu.memref_slice %arg6[%dma_wait3A_136, %dma_wait3A_138, %dma_wait3A_139] : memref<4x128x64xf32, #tpu.memory_space<vmem>> -> memref<1x128x64xf32, #tpu.memory_space<vmem>>
    %dma_wait3A_141 = tpu.memref_squeeze %dma_wait3A_140 : memref<1x128x64xf32, #tpu.memory_space<vmem>> -> memref<128x64xf32, #tpu.memory_space<vmem>>
    %dma_wait3A_142 = arith.constant 0 : i32
    %dma_wait3A_143 = tpu.memref_slice %arg5[%dma_wait3A_135, %dma_wait3A_142] : memref<200x128xi32, #tpu.memory_space<vmem>> -> memref<1x128xi32, #tpu.memory_space<vmem>>
    %dma_wait3A_144 = tpu.memref_squeeze %dma_wait3A_143 : memref<1x128xi32, #tpu.memory_space<vmem>> -> memref<128xi32, #tpu.memory_space<vmem>>
    %dma_wait3A_145 = arith.constant 0 : i32
    %dma_wait3A_146 = arith.constant 0 : i32
    %dma_wait3A_147 = tpu.memref_slice %arg2[%dma_wait3A_145, %dma_wait3A_146] : memref<100001x64xf32, #tpu.memory_space<hbm>> -> memref<100001x64xf32, #tpu.memory_space<hbm>>
    %dma_wait3A_148 = tpu.memref_slice %arg7[%dma_wait3A_137] : memref<4x!tpu.dma_semaphore, #tpu.memory_space<semaphore_mem>> -> memref<1x!tpu.dma_semaphore, #tpu.memory_space<semaphore_mem>>
    %dma_wait3A_149 = tpu.memref_squeeze %dma_wait3A_148 : memref<1x!tpu.dma_semaphore, #tpu.memory_space<semaphore_mem>> -> memref<!tpu.dma_semaphore, #tpu.memory_space<semaphore_mem>>
    tpu.wait_indirect_dma semaphore(%dma_wait3A_149 : memref<!tpu.dma_semaphore, #tpu.memory_space<semaphore_mem>>) src(%dma_wait3A_147 : memref<100001x64xf32, #tpu.memory_space<hbm>>) dst(%dma_wait3A_141 : memref<128x64xf32, #tpu.memory_space<vmem>>)
    %add3A_150 = arith.constant 198 : i32
    %add3A_151 = arith.addi %mul3A_2, %add3A_150 : i32
    %mul3A_152 = arith.constant 128 : i32
    %mul3A_153 = arith.muli %add3A_151, %mul3A_152 : i32
    %dma_start3A_154 = arith.constant 2 : i32
    %dma_start3A_155 = arith.constant 2 : i32
    %dma_start3A_156 = arith.constant 0 : i32
    %dma_start3A_157 = arith.constant 0 : i32
    %dma_start3A_158 = tpu.memref_slice %arg6[%dma_start3A_154, %dma_start3A_156, %dma_start3A_157] : memref<4x128x64xf32, #tpu.memory_space<vmem>> -> memref<1x128x64xf32, #tpu.memory_space<vmem>>
    %dma_start3A_159 = tpu.memref_squeeze %dma_start3A_158 : memref<1x128x64xf32, #tpu.memory_space<vmem>> -> memref<128x64xf32, #tpu.memory_space<vmem>>
    %dma_start3A_160 = arith.constant 0 : i32
    %dma_start3A_161 = tpu.memref_slice %arg4[%mul3A_153, %dma_start3A_160] : memref<819200x64xf32, #tpu.memory_space<hbm>> -> memref<128x64xf32, #tpu.memory_space<hbm>>
    %dma_start3A_162 = tpu.memref_slice %arg8[%dma_start3A_155] : memref<4x!tpu.dma_semaphore, #tpu.memory_space<semaphore_mem>> -> memref<1x!tpu.dma_semaphore, #tpu.memory_space<semaphore_mem>>
    %dma_start3A_163 = tpu.memref_squeeze %dma_start3A_162 : memref<1x!tpu.dma_semaphore, #tpu.memory_space<semaphore_mem>> -> memref<!tpu.dma_semaphore, #tpu.memory_space<semaphore_mem>>
    %dma_start3A_164 = arith.constant 0 : i32
    %dma_start3A_165 = tpu.memref_slice %arg4[%mul3A_153, %dma_start3A_164] : memref<819200x64xf32, #tpu.memory_space<hbm>> -> memref<128x64xf32, #tpu.memory_space<hbm>>
    %dma_start3A_166 = arith.constant 0 : i32
    %dma_start3A_167 = arith.constant 0 : i32
    %dma_start3A_168 = tpu.memref_slice %arg6[%dma_start3A_154, %dma_start3A_166, %dma_start3A_167] : memref<4x128x64xf32, #tpu.memory_space<vmem>> -> memref<1x128x64xf32, #tpu.memory_space<vmem>>
    %dma_start3A_169 = tpu.memref_squeeze %dma_start3A_168 : memref<1x128x64xf32, #tpu.memory_space<vmem>> -> memref<128x64xf32, #tpu.memory_space<vmem>>
    tpu.enqueue_dma source(%dma_start3A_169 : memref<128x64xf32, #tpu.memory_space<vmem>>) target(%dma_start3A_165 : memref<128x64xf32, #tpu.memory_space<hbm>>) target_semaphore(%dma_start3A_163 : memref<!tpu.dma_semaphore, #tpu.memory_space<semaphore_mem>>)
    %dma_wait3A_170 = arith.constant 0 : i32
    %dma_wait3A_171 = arith.constant 3 : i32
    %dma_wait3A_172 = arith.constant 3 : i32
    %dma_wait3A_173 = arith.constant 0 : i32
    %dma_wait3A_174 = arith.constant 0 : i32
    %dma_wait3A_175 = tpu.memref_slice %arg6[%dma_wait3A_171, %dma_wait3A_173, %dma_wait3A_174] : memref<4x128x64xf32, #tpu.memory_space<vmem>> -> memref<1x128x64xf32, #tpu.memory_space<vmem>>
    %dma_wait3A_176 = tpu.memref_squeeze %dma_wait3A_175 : memref<1x128x64xf32, #tpu.memory_space<vmem>> -> memref<128x64xf32, #tpu.memory_space<vmem>>
    %dma_wait3A_177 = arith.constant 0 : i32
    %dma_wait3A_178 = tpu.memref_slice %arg5[%dma_wait3A_170, %dma_wait3A_177] : memref<200x128xi32, #tpu.memory_space<vmem>> -> memref<1x128xi32, #tpu.memory_space<vmem>>
    %dma_wait3A_179 = tpu.memref_squeeze %dma_wait3A_178 : memref<1x128xi32, #tpu.memory_space<vmem>> -> memref<128xi32, #tpu.memory_space<vmem>>
    %dma_wait3A_180 = arith.constant 0 : i32
    %dma_wait3A_181 = arith.constant 0 : i32
    %dma_wait3A_182 = tpu.memref_slice %arg2[%dma_wait3A_180, %dma_wait3A_181] : memref<100001x64xf32, #tpu.memory_space<hbm>> -> memref<100001x64xf32, #tpu.memory_space<hbm>>
    %dma_wait3A_183 = tpu.memref_slice %arg7[%dma_wait3A_172] : memref<4x!tpu.dma_semaphore, #tpu.memory_space<semaphore_mem>> -> memref<1x!tpu.dma_semaphore, #tpu.memory_space<semaphore_mem>>
    %dma_wait3A_184 = tpu.memref_squeeze %dma_wait3A_183 : memref<1x!tpu.dma_semaphore, #tpu.memory_space<semaphore_mem>> -> memref<!tpu.dma_semaphore, #tpu.memory_space<semaphore_mem>>
    tpu.wait_indirect_dma semaphore(%dma_wait3A_184 : memref<!tpu.dma_semaphore, #tpu.memory_space<semaphore_mem>>) src(%dma_wait3A_182 : memref<100001x64xf32, #tpu.memory_space<hbm>>) dst(%dma_wait3A_176 : memref<128x64xf32, #tpu.memory_space<vmem>>)
    %add3A_185 = arith.constant 199 : i32
    %add3A_186 = arith.addi %mul3A_2, %add3A_185 : i32
    %mul3A_187 = arith.constant 128 : i32
    %mul3A_188 = arith.muli %add3A_186, %mul3A_187 : i32
    %dma_start3A_189 = arith.constant 3 : i32
    %dma_start3A_190 = arith.constant 3 : i32
    %dma_start3A_191 = arith.constant 0 : i32
    %dma_start3A_192 = arith.constant 0 : i32
    %dma_start3A_193 = tpu.memref_slice %arg6[%dma_start3A_189, %dma_start3A_191, %dma_start3A_192] : memref<4x128x64xf32, #tpu.memory_space<vmem>> -> memref<1x128x64xf32, #tpu.memory_space<vmem>>
    %dma_start3A_194 = tpu.memref_squeeze %dma_start3A_193 : memref<1x128x64xf32, #tpu.memory_space<vmem>> -> memref<128x64xf32, #tpu.memory_space<vmem>>
    %dma_start3A_195 = arith.constant 0 : i32
    %dma_start3A_196 = tpu.memref_slice %arg4[%mul3A_188, %dma_start3A_195] : memref<819200x64xf32, #tpu.memory_space<hbm>> -> memref<128x64xf32, #tpu.memory_space<hbm>>
    %dma_start3A_197 = tpu.memref_slice %arg8[%dma_start3A_190] : memref<4x!tpu.dma_semaphore, #tpu.memory_space<semaphore_mem>> -> memref<1x!tpu.dma_semaphore, #tpu.memory_space<semaphore_mem>>
    %dma_start3A_198 = tpu.memref_squeeze %dma_start3A_197 : memref<1x!tpu.dma_semaphore, #tpu.memory_space<semaphore_mem>> -> memref<!tpu.dma_semaphore, #tpu.memory_space<semaphore_mem>>
    %dma_start3A_199 = arith.constant 0 : i32
    %dma_start3A_200 = tpu.memref_slice %arg4[%mul3A_188, %dma_start3A_199] : memref<819200x64xf32, #tpu.memory_space<hbm>> -> memref<128x64xf32, #tpu.memory_space<hbm>>
    %dma_start3A_201 = arith.constant 0 : i32
    %dma_start3A_202 = arith.constant 0 : i32
    %dma_start3A_203 = tpu.memref_slice %arg6[%dma_start3A_189, %dma_start3A_201, %dma_start3A_202] : memref<4x128x64xf32, #tpu.memory_space<vmem>> -> memref<1x128x64xf32, #tpu.memory_space<vmem>>
    %dma_start3A_204 = tpu.memref_squeeze %dma_start3A_203 : memref<1x128x64xf32, #tpu.memory_space<vmem>> -> memref<128x64xf32, #tpu.memory_space<vmem>>
    tpu.enqueue_dma source(%dma_start3A_204 : memref<128x64xf32, #tpu.memory_space<vmem>>) target(%dma_start3A_200 : memref<128x64xf32, #tpu.memory_space<hbm>>) target_semaphore(%dma_start3A_198 : memref<!tpu.dma_semaphore, #tpu.memory_space<semaphore_mem>>)
    %dma_wait3A_205 = arith.constant 0 : i32
    %dma_wait3A_206 = arith.constant 0 : i32
    %dma_wait3A_207 = arith.constant 0 : i32
    %dma_wait3A_208 = arith.constant 0 : i32
    %dma_wait3A_209 = tpu.memref_slice %arg6[%dma_wait3A_205, %dma_wait3A_207, %dma_wait3A_208] : memref<4x128x64xf32, #tpu.memory_space<vmem>> -> memref<1x128x64xf32, #tpu.memory_space<vmem>>
    %dma_wait3A_210 = tpu.memref_squeeze %dma_wait3A_209 : memref<1x128x64xf32, #tpu.memory_space<vmem>> -> memref<128x64xf32, #tpu.memory_space<vmem>>
    %dma_wait3A_211 = arith.constant 0 : i32
    %dma_wait3A_212 = arith.constant 0 : i32
    %dma_wait3A_213 = tpu.memref_slice %arg4[%dma_wait3A_211, %dma_wait3A_212] : memref<819200x64xf32, #tpu.memory_space<hbm>> -> memref<128x64xf32, #tpu.memory_space<hbm>>
    %dma_wait3A_214 = tpu.memref_slice %arg8[%dma_wait3A_206] : memref<4x!tpu.dma_semaphore, #tpu.memory_space<semaphore_mem>> -> memref<1x!tpu.dma_semaphore, #tpu.memory_space<semaphore_mem>>
    %dma_wait3A_215 = tpu.memref_squeeze %dma_wait3A_214 : memref<1x!tpu.dma_semaphore, #tpu.memory_space<semaphore_mem>> -> memref<!tpu.dma_semaphore, #tpu.memory_space<semaphore_mem>>
    %dma_wait3A_216 = arith.constant 0 : i32
    %dma_wait3A_217 = arith.constant 0 : i32
    %dma_wait3A_218 = tpu.memref_slice %arg4[%dma_wait3A_216, %dma_wait3A_217] : memref<819200x64xf32, #tpu.memory_space<hbm>> -> memref<128x64xf32, #tpu.memory_space<hbm>>
    %dma_wait3A_219 = arith.constant 0 : i32
    %dma_wait3A_220 = arith.constant 0 : i32
    %dma_wait3A_221 = tpu.memref_slice %arg6[%dma_wait3A_205, %dma_wait3A_219, %dma_wait3A_220] : memref<4x128x64xf32, #tpu.memory_space<vmem>> -> memref<1x128x64xf32, #tpu.memory_space<vmem>>
    %dma_wait3A_222 = tpu.memref_squeeze %dma_wait3A_221 : memref<1x128x64xf32, #tpu.memory_space<vmem>> -> memref<128x64xf32, #tpu.memory_space<vmem>>
    tpu.wait_dma2 semaphore(%dma_wait3A_215 : memref<!tpu.dma_semaphore, #tpu.memory_space<semaphore_mem>>) src(%dma_wait3A_222 : memref<128x64xf32, #tpu.memory_space<vmem>>) dst(%dma_wait3A_218 : memref<128x64xf32, #tpu.memory_space<hbm>>)
    %dma_wait3A_223 = arith.constant 1 : i32
    %dma_wait3A_224 = arith.constant 1 : i32
    %dma_wait3A_225 = arith.constant 0 : i32
    %dma_wait3A_226 = arith.constant 0 : i32
    %dma_wait3A_227 = tpu.memref_slice %arg6[%dma_wait3A_223, %dma_wait3A_225, %dma_wait3A_226] : memref<4x128x64xf32, #tpu.memory_space<vmem>> -> memref<1x128x64xf32, #tpu.memory_space<vmem>>
    %dma_wait3A_228 = tpu.memref_squeeze %dma_wait3A_227 : memref<1x128x64xf32, #tpu.memory_space<vmem>> -> memref<128x64xf32, #tpu.memory_space<vmem>>
    %dma_wait3A_229 = arith.constant 0 : i32
    %dma_wait3A_230 = arith.constant 0 : i32
    %dma_wait3A_231 = tpu.memref_slice %arg4[%dma_wait3A_229, %dma_wait3A_230] : memref<819200x64xf32, #tpu.memory_space<hbm>> -> memref<128x64xf32, #tpu.memory_space<hbm>>
    %dma_wait3A_232 = tpu.memref_slice %arg8[%dma_wait3A_224] : memref<4x!tpu.dma_semaphore, #tpu.memory_space<semaphore_mem>> -> memref<1x!tpu.dma_semaphore, #tpu.memory_space<semaphore_mem>>
    %dma_wait3A_233 = tpu.memref_squeeze %dma_wait3A_232 : memref<1x!tpu.dma_semaphore, #tpu.memory_space<semaphore_mem>> -> memref<!tpu.dma_semaphore, #tpu.memory_space<semaphore_mem>>
    %dma_wait3A_234 = arith.constant 0 : i32
    %dma_wait3A_235 = arith.constant 0 : i32
    %dma_wait3A_236 = tpu.memref_slice %arg4[%dma_wait3A_234, %dma_wait3A_235] : memref<819200x64xf32, #tpu.memory_space<hbm>> -> memref<128x64xf32, #tpu.memory_space<hbm>>
    %dma_wait3A_237 = arith.constant 0 : i32
    %dma_wait3A_238 = arith.constant 0 : i32
    %dma_wait3A_239 = tpu.memref_slice %arg6[%dma_wait3A_223, %dma_wait3A_237, %dma_wait3A_238] : memref<4x128x64xf32, #tpu.memory_space<vmem>> -> memref<1x128x64xf32, #tpu.memory_space<vmem>>
    %dma_wait3A_240 = tpu.memref_squeeze %dma_wait3A_239 : memref<1x128x64xf32, #tpu.memory_space<vmem>> -> memref<128x64xf32, #tpu.memory_space<vmem>>
    tpu.wait_dma2 semaphore(%dma_wait3A_233 : memref<!tpu.dma_semaphore, #tpu.memory_space<semaphore_mem>>) src(%dma_wait3A_240 : memref<128x64xf32, #tpu.memory_space<vmem>>) dst(%dma_wait3A_236 : memref<128x64xf32, #tpu.memory_space<hbm>>)
    %dma_wait3A_241 = arith.constant 2 : i32
    %dma_wait3A_242 = arith.constant 2 : i32
    %dma_wait3A_243 = arith.constant 0 : i32
    %dma_wait3A_244 = arith.constant 0 : i32
    %dma_wait3A_245 = tpu.memref_slice %arg6[%dma_wait3A_241, %dma_wait3A_243, %dma_wait3A_244] : memref<4x128x64xf32, #tpu.memory_space<vmem>> -> memref<1x128x64xf32, #tpu.memory_space<vmem>>
    %dma_wait3A_246 = tpu.memref_squeeze %dma_wait3A_245 : memref<1x128x64xf32, #tpu.memory_space<vmem>> -> memref<128x64xf32, #tpu.memory_space<vmem>>
    %dma_wait3A_247 = arith.constant 0 : i32
    %dma_wait3A_248 = arith.constant 0 : i32
    %dma_wait3A_249 = tpu.memref_slice %arg4[%dma_wait3A_247, %dma_wait3A_248] : memref<819200x64xf32, #tpu.memory_space<hbm>> -> memref<128x64xf32, #tpu.memory_space<hbm>>
    %dma_wait3A_250 = tpu.memref_slice %arg8[%dma_wait3A_242] : memref<4x!tpu.dma_semaphore, #tpu.memory_space<semaphore_mem>> -> memref<1x!tpu.dma_semaphore, #tpu.memory_space<semaphore_mem>>
    %dma_wait3A_251 = tpu.memref_squeeze %dma_wait3A_250 : memref<1x!tpu.dma_semaphore, #tpu.memory_space<semaphore_mem>> -> memref<!tpu.dma_semaphore, #tpu.memory_space<semaphore_mem>>
    %dma_wait3A_252 = arith.constant 0 : i32
    %dma_wait3A_253 = arith.constant 0 : i32
    %dma_wait3A_254 = tpu.memref_slice %arg4[%dma_wait3A_252, %dma_wait3A_253] : memref<819200x64xf32, #tpu.memory_space<hbm>> -> memref<128x64xf32, #tpu.memory_space<hbm>>
    %dma_wait3A_255 = arith.constant 0 : i32
    %dma_wait3A_256 = arith.constant 0 : i32
    %dma_wait3A_257 = tpu.memref_slice %arg6[%dma_wait3A_241, %dma_wait3A_255, %dma_wait3A_256] : memref<4x128x64xf32, #tpu.memory_space<vmem>> -> memref<1x128x64xf32, #tpu.memory_space<vmem>>
    %dma_wait3A_258 = tpu.memref_squeeze %dma_wait3A_257 : memref<1x128x64xf32, #tpu.memory_space<vmem>> -> memref<128x64xf32, #tpu.memory_space<vmem>>
    tpu.wait_dma2 semaphore(%dma_wait3A_251 : memref<!tpu.dma_semaphore, #tpu.memory_space<semaphore_mem>>) src(%dma_wait3A_258 : memref<128x64xf32, #tpu.memory_space<vmem>>) dst(%dma_wait3A_254 : memref<128x64xf32, #tpu.memory_space<hbm>>)
    %dma_wait3A_259 = arith.constant 3 : i32
    %dma_wait3A_260 = arith.constant 3 : i32
    %dma_wait3A_261 = arith.constant 0 : i32
    %dma_wait3A_262 = arith.constant 0 : i32
    %dma_wait3A_263 = tpu.memref_slice %arg6[%dma_wait3A_259, %dma_wait3A_261, %dma_wait3A_262] : memref<4x128x64xf32, #tpu.memory_space<vmem>> -> memref<1x128x64xf32, #tpu.memory_space<vmem>>
    %dma_wait3A_264 = tpu.memref_squeeze %dma_wait3A_263 : memref<1x128x64xf32, #tpu.memory_space<vmem>> -> memref<128x64xf32, #tpu.memory_space<vmem>>
    %dma_wait3A_265 = arith.constant 0 : i32
    %dma_wait3A_266 = arith.constant 0 : i32
    %dma_wait3A_267 = tpu.memref_slice %arg4[%dma_wait3A_265, %dma_wait3A_266] : memref<819200x64xf32, #tpu.memory_space<hbm>> -> memref<128x64xf32, #tpu.memory_space<hbm>>
    %dma_wait3A_268 = tpu.memref_slice %arg8[%dma_wait3A_260] : memref<4x!tpu.dma_semaphore, #tpu.memory_space<semaphore_mem>> -> memref<1x!tpu.dma_semaphore, #tpu.memory_space<semaphore_mem>>
    %dma_wait3A_269 = tpu.memref_squeeze %dma_wait3A_268 : memref<1x!tpu.dma_semaphore, #tpu.memory_space<semaphore_mem>> -> memref<!tpu.dma_semaphore, #tpu.memory_space<semaphore_mem>>
    %dma_wait3A_270 = arith.constant 0 : i32
    %dma_wait3A_271 = arith.constant 0 : i32
    %dma_wait3A_272 = tpu.memref_slice %arg4[%dma_wait3A_270, %dma_wait3A_271] : memref<819200x64xf32, #tpu.memory_space<hbm>> -> memref<128x64xf32, #tpu.memory_space<hbm>>
    %dma_wait3A_273 = arith.constant 0 : i32
    %dma_wait3A_274 = arith.constant 0 : i32
    %dma_wait3A_275 = tpu.memref_slice %arg6[%dma_wait3A_259, %dma_wait3A_273, %dma_wait3A_274] : memref<4x128x64xf32, #tpu.memory_space<vmem>> -> memref<1x128x64xf32, #tpu.memory_space<vmem>>
    %dma_wait3A_276 = tpu.memref_squeeze %dma_wait3A_275 : memref<1x128x64xf32, #tpu.memory_space<vmem>> -> memref<128x64xf32, #tpu.memory_space<vmem>>
    tpu.wait_dma2 semaphore(%dma_wait3A_269 : memref<!tpu.dma_semaphore, #tpu.memory_space<semaphore_mem>>) src(%dma_wait3A_276 : memref<128x64xf32, #tpu.memory_space<vmem>>) dst(%dma_wait3A_272 : memref<128x64xf32, #tpu.memory_space<hbm>>)
    return
  }
}

</mosaic_0001>

<sc_bundles>
// kernel: kernel.3.cloned.1.call-start
scs
__scs_entry_jumppad:
0x0: {  	(pc) =	sbr.rel $0x88, $3  }
0x1: {  	(tag) =	ssettag $0x0;
	lr =	simm.s32 $0x1  }
0x2: {  	[smem:$0x3F9F] =	sst lr;
	_ =	strace $0xD0000000  }
0x3: {  	_ = 	snop  }
0x4: {  	_ = 	snop  }
0x5: {  	_ = 	snop  }
0x6: {  	_ = 	snop  }
0x7: {  	_ = 	snop  }
__scs_overlays_trampoline_lowered:
0x8: {  	[smem:$0x3FAE] =	sst s0  }
0x9: {  	[smem:$0x3FAF] =	sst s1  }
0xa: {  	[smem:$0x3FB0] =	sst s2  }
0xb: {  	[smem:$0x3FB1] =	sst s3  }
0xc: {  	[smem:$0x3FB2] =	sst s4  }
0xd: {  	[smem:$0x3FB3] =	sst s5  }
0xe: {  	[smem:$0x3FB4] =	sst s6  }
0xf: {  	[smem:$0x3FB5] =	sst s7  }
0x10: {  	[smem:$0x3FB6] =	sst s8  }
0x11: {  	[smem:$0x3FB7] =	sst s9;
	s0 =	simm.s32 @!p0 $0x0  }
0x12: {  	s1 =	sld [smem:$0x3F9D];
	s0 =	simm.s32 @p0 $0x1  }
0x13: {  	[smem:$0x3FB8] =	sst s0;
	s0 =	simm.s32 @!p1 $0x0  }
0x14: {  	s2 =	sld [smem:$0x3F9C];
	s0 =	simm.s32 @p1 $0x1  }
0x15: {  	[smem:$0x3FB9] =	sst s0;
	s0 =	simm.s32 @!p2 $0x0  }
0x16: {  	s3 =	sld [smem:$0x3FDB];
	s0 =	simm.s32 @p2 $0x1  }
0x17: {  	s4 =	simm.s32 $0x1BF5;
	[smem:$0x3FBB] =	sst s0  }
0x18: {  	s0 =	sld [smem:$0x3F9E];
	_ =	swait.ge [sflag:s4], $0x0  }
0x19: {  	s7 =	sld [smem:$0x3F9F]  }
0x1a: {  	s8 =	sadd.s32 $0xFFFFE003, lr  }
0x1b: {  	s9 =	sadd.s32 $0xFFFFFEF7, lr;
	s5 =	simm.s32 $0xFFFFFFFF;
	p2 =	slt.u32 s8, $0xFFFFF086  }
0x1c: {  	p1 =	slt.u32 s9, $0xF7A;
	s5 =	simm.s32 @!p2 $0x0  }
0x1d: {  	s5 =	simm.s32 @p1 $0x1;
	p0 =	seq.s32 s7, s2  }
0x1e: {  	s7 =	smul.u32 @!p0 $0xF7A, s2;
	p2 =	seq.s32 @!p0 s5, $0x0  }
0x1f: {  	s9 =	smul.u32 $0xF7A, s1;
	s8 =	simm.s32 @!p0 $0x1BF5;
	p2 =	por !p2, p0  }
0x20: {  	[sflag:s8] =	ssyncset.s32 @!p0 $0xFFFFF086;
	s6 =	sadd.s32 @!p0 s3, s7;
	s7 =	simm.s32 @!p0 $0x108  }
0x21: {  	s3 =	sadd.s32 s3, s9;
	s6 =	sadd.s32 @!p0 $0x88, s6;
	s7 =	simm.s32 @p2 $0x1082  }
0x22: {  	[simem:s7], [sflag:s8] =	dma.local @!p0 [hbm:s6], $0xF7A  }
0x23: {  	s9 =	sor.u32 $0xD0000000, s2;
	s6 =	simm.s32 $0x108;
	_ =	swait.ge @!p0 [sflag:s8], $0x0  }
0x24: {  	s3 =	sadd.s32 $0x88, s3;
	s6 =	simm.s32 @!p1 $0x1082;
	[sflag:s4] =	ssyncset.s32 $0xFFFFF086  }
0x25: {  	[simem:s6], [sflag:s4] =	dma.local [hbm:s3], $0xF7A  }
0x26: {  	[smem:$0x3F9F] =	sst s1;
	(tag) =	ssettag s2;
	_ =	strace s9  }
0x27: {  	s1 =	sld [smem:$0x3FAF]  }
0x28: {  	s2 =	sld [smem:$0x3FB0]  }
0x29: {  	s4 =	sld [smem:$0x3FB2]  }
0x2a: {  	p0 =	seq.s32 s5, $0x0;
	s5 =	sld [smem:$0x3FB3]  }
0x2b: {  	s6 =	sld [smem:$0x3FB4]  }
0x2c: {  	s7 =	sld [smem:$0x3FB5]  }
0x2d: {  	s3 =	simm.s32 $0x108;
	s8 =	sld [smem:$0x3FB6]  }
0x2e: {  	s3 =	simm.s32 @!p0 $0x1082;
	s9 =	sld [smem:$0x3FB7]  }
0x2f: {  	lr =	sadd.s32 s0, s3;
	s0 =	sld [smem:$0x3FAE]  }
0x30: {  	s3 =	sld [smem:$0x3FB1]  }
0x31: {  	[smem:$0x3FBA] =	sst s10  }
0x32: {  	s10 =	sld [smem:$0x3FB8];
	_ =	sdelay $0x3  }
0x33: {  	p0 =	seq.s32 s10, $0x1;
	s10 =	sld [smem:$0x3FBA];
	_ =	sdelay $0x3  }
0x34: {  	[smem:$0x3FBA] =	sst s10  }
0x35: {  	s10 =	sld [smem:$0x3FB9];
	_ =	sdelay $0x3  }
0x36: {  	p1 =	seq.s32 s10, $0x1;
	s10 =	sld [smem:$0x3FBA];
	_ =	sdelay $0x3  }
0x37: {  	[smem:$0x3FBA] =	sst s10  }
0x38: {  	s10 =	sld [smem:$0x3FBB]  }
0x39: {  	_ = 	snop;
	(pc) =	sbr.ind lr, $3  }
0x3a: {  	_ = 	snop  }
0x3b: {  	_ = 	snop  }
0x3c: {  	p2 =	seq.s32 s10, $0x1;
	s10 =	sld [smem:$0x3FBA]  }
0x3d: {  	_ =	shalt  }
0x3e: {  	_ =	shalt  }
0x3f: {  	_ =	shalt  }
0x40: {  	_ =	shalt  }
0x41: {  	_ =	shalt  }
0x42: {  	_ =	shalt  }
0x43: {  	_ =	shalt  }
0x44: {  	_ =	shalt  }
0x45: {  	_ =	shalt  }
0x46: {  	_ =	shalt  }
0x47: {  	_ =	shalt  }
0x48: {  	_ =	shalt  }
0x49: {  	_ =	shalt  }
0x4a: {  	_ =	shalt  }
0x4b: {  	_ =	shalt  }
0x4c: {  	_ =	shalt  }
0x4d: {  	_ =	shalt  }
0x4e: {  	_ =	shalt  }
0x4f: {  	_ =	shalt  }
0x50: {  	_ =	shalt  }
0x51: {  	_ =	shalt  }
0x52: {  	_ =	shalt  }
0x53: {  	_ =	shalt  }
0x54: {  	_ =	shalt  }
0x55: {  	_ =	shalt  }
0x56: {  	_ =	shalt  }
0x57: {  	_ =	shalt  }
0x58: {  	_ =	shalt  }
0x59: {  	_ =	shalt  }
0x5a: {  	_ =	shalt  }
0x5b: {  	_ =	shalt  }
0x5c: {  	_ =	shalt  }
0x5d: {  	_ =	shalt  }
0x5e: {  	_ =	shalt  }
0x5f: {  	_ =	shalt  }
0x60: {  	_ =	shalt  }
0x61: {  	_ =	shalt  }
0x62: {  	_ =	shalt  }
0x63: {  	_ =	shalt  }
0x64: {  	_ =	shalt  }
0x65: {  	_ =	shalt  }
0x66: {  	_ =	shalt  }
0x67: {  	_ =	shalt  }
0x68: {  	_ =	shalt  }
0x69: {  	_ =	shalt  }
0x6a: {  	_ =	shalt  }
0x6b: {  	_ =	shalt  }
0x6c: {  	_ =	shalt  }
0x6d: {  	_ =	shalt  }
0x6e: {  	_ =	shalt  }
0x6f: {  	_ =	shalt  }
0x70: {  	_ =	shalt  }
0x71: {  	_ =	shalt  }
0x72: {  	_ =	shalt  }
0x73: {  	_ =	shalt  }
0x74: {  	_ =	shalt  }
0x75: {  	_ =	shalt  }
0x76: {  	_ =	shalt  }
0x77: {  	_ =	shalt  }
0x78: {  	_ =	shalt  }
0x79: {  	_ =	shalt  }
0x7a: {  	_ =	shalt  }
0x7b: {  	_ =	shalt  }
0x7c: {  	_ =	shalt  }
0x7d: {  	_ =	shalt  }
0x7e: {  	_ =	shalt  }
0x7f: {  	_ =	shalt  }
0x80: {  	_ =	shalt  }
0x81: {  	_ =	shalt  }
0x82: {  	_ =	shalt  }
0x83: {  	_ =	shalt  }
0x84: {  	_ =	shalt  }
0x85: {  	_ =	shalt  }
0x86: {  	_ =	shalt  }
0x87: {  	_ =	shalt  }
.Lfunc_end0:
.L_simem_size_0:
called_computation.1_lowered:
.L_overlay_start_0:
0x88: {  	s2 =	sld [smem:$0x3FD9]  }
0x89: {  	s3 =	sld [smem:$0x3FFE];
	_ =	sdelay $0x1  }
0x8a: {  	s1 =	srdreg.scid  }
0x8b: {  	s0 =	sand.u32 $0x1, s1  }
0x8c: {  	s17 =	sshll.u32 s0, $0xA;
	s2 =	sadd.s32 s3, s2  }
0x8d: {  	s2 =	sadd.s32 s2, s17  }
0x8e: {  	[smem:$0x3FC6] =	sst s2  }
0x8f: {  	_ = 	snop  }
0x90: {  	s2 =	sld [smem:$0x3FD0];
	(tm) =	ssettm $0x1  }
0x91: {  	s18 =	sld [smem:$0x3FFB];
	_ =	sdelay $0x3  }
0x92: {  	_ =	strace s18  }
0x93: {  	s3 =	sld [smem:$0x3FFC];
	_ =	sdelay $0x3  }
0x94: {  	_ =	strace s3  }
0x95: {  	s3 =	sld [smem:$0x3FFD];
	_ =	sdelay $0x3  }
0x96: {  	_ =	strace s3  }
0x97: {  	_ =	strace $0x8FFFFFFF  }
0x98: {  	s19 =	sld [smem:$0x3FDB];
	_ =	sdelay $0x1  }
0x99: {  	s4 =	simm.s32 $_scs_section_size  }
0x9a: {  	s5 =	simm.s32 $_size__tile_overlayer_lowered;
	s6 =	simm.s32 $_tile_overlayer_lowered  }
0x9b: {  	s22 =	simm.s32 $0x1BFF;
	s21 =	sshll.u32 s6, $0x1;
	s3 =	sadd.s32 s4, s19  }
0x9c: {  	s7 =	simm.s32 $0x0;
	s20 =	sshll.u32 s5, $0x1;
	s5 =	sadd.s32 s21, s3  }
0x9d: {  	[timem:s7], [sflag:s22] =	dma.local [hbm:s5], s20  }
0x9e: {  	_ =	swait.ge [sflag:s22], s20  }
0x9f: {  	s4 =	ssub.s32 $0x0, s20;
	[sflag:s22] =	ssyncset.done $0x0  }
0xa0: {  	[sflag:s22] =	ssyncadd.s32 s4;
	_ =	sdelay $0x1  }
0xa1: {  	s23 =	simm.s32 $0x1B8B  }
0xa2: {  	_ =	swait.ge [sflag:s23], $0x1  }
0xa3: {  	[sflag:s23] =	ssyncset.done $0x0  }
0xa4: {  	s25 =	simm.s32 $0x1B8E;
	s24 =	sld [smem:$0x3FFE];
	[sflag:s23] =	ssyncadd.s32 $0xFFFFFFFF  }
0xa5: {  	s26 =	simm.s32 $execute0_lowered;
	[smem:$0x3FD2] =	sst s25  }
0xa6: {  	s5 =	sshll.u32 s26, $0x1;
	_ =	strace $0x80000046;
	[dreg:$0x1] =	wrdreg $0xFFFFFFFF  }
0xa7: {  	s28 =	simm.s32 $_size_execute0_lowered;
	s3 =	sadd.s32 s3, s5;
	[dreg:$0x0] =	wrdreg $0x0  }
0xa8: {  	s5 =	sshll.u32 s28, $0x1;
	[dreg:$0x2] =	wrdreg s3  }
0xa9: {  	[dreg:$0x3] =	wrdreg s5  }
0xaa: {  	[dreg:$0x4] =	wrdreg $0xC0  }
0xab: {  	_ =	task [dreg:s7], $0x5FFFF  }
0xac: {  	[dreg:$0x1] =	wrdreg $0xFFFFFFFF  }
0xad: {  	[dreg:$0x0] =	wrdreg $0x60  }
0xae: {  	[dreg:$0x2] =	wrdreg s24  }
0xaf: {  	[dreg:$0x3] =	wrdreg s2  }
0xb0: {  	[dreg:$0x4] =	wrdreg $0x9  }
0xb1: {  	_ =	task.clear_ibuf [dreg:s7], $0x5FFFF;
	_ =	strace $0x90000046  }
0xb2: {  	s29 =	simm.s32 $0x9;
	_ =	strace $0x80000048  }
0xb3: {  	_ =	swait.ge [sflag:s29], $0x1  }
0xb4: {  	[sflag:s29] =	ssyncadd.s32 $0xFFFFFFFF  }
0xb5: {  	_ =	strace $0x90000048  }
0xb6: {  	_ =	sfence  }
0xb7: {  	s30 =	sld [smem:$0x0];
	_ =	sdelay $0x2  }
0xb8: {  	s31 =	sshll.u32 s1, $0xD;
	s1 =	sshrl.u32 s1, $0x2  }
0xb9: {  	s3 =	sand.u32 $0x4000, s31;
	s1 =	sadd.s32 s1, s30  }
0xba: {  	s0 =	sor.u32 s3, s0;
	s1 =	sshll.u32 s1, $0x11  }
0xbb: {  	s0 =	sor.u32 s1, s0  }
0xbc: {  	s0 =	sadd.s32 $0x8F2B, s0  }
0xbd: {  	[sflag:s0] =	ssyncadd.remote.s32 $0x1  }
0xbe: {  	_ =	sfence.sel $0xFFFF  }
0xbf: {  	[dreg:$0x0] =	wrdreg $0xFFFFFFFF;
	(pc) =	sbr.abs _section_cstart, $3  }
0xc0: {  	[dreg:$0x1] =	wrdreg $0xFFFFFFFF  }
0xc1: {  	_ =	task.clear_ibuf [dreg:s7], $0x2FFFF;
	_ =	strace $0x9FFFFFFF  }
0xc2: {  	(tm) =	ssettm $0x7FFFFFFF  }
0xc3: {  	_ =	shalt  }
tec
execute0_lowered:
.L_overlay_start_1:
0x0: {  	(tag) =	ssettag $0x1  }
0x1: {  	s0 =	srdreg.scid;
	s1 =	rddreg [dreg:$0x0]  }
0x2: {  	s13 =	stileid.u32;
	s12 =	rddreg [dreg:$0x1]  }
0x3: {  	s14 =	simm.s32 $0x80;
	s15 =	simm.s32 $0x6400;
	s16 =	simm.s32 $0x8400  }
0x4: {  	s18 =	simm.s32 $0xA400;
	s20 =	simm.s32 $0xC400;
	s21 =	simm.s32 $0x1  }
0x5: {  	s22 =	simm.s32 $0x5;
	s23 =	simm.s32 $0x2;
	s8 =	smul.u32 $0x190, s13  }
0x6: {  	s0 =	sand.u32 $0x1, s0;
	s2 =	sshll.u32 s13, $0x1;
	s13 =	smul.u32 $0x64000, s13  }
0x7: {  	s24 =	simm.s32 $0x6;
	s28 =	simm.s32 $0x4;
	s10 =	smul.u32 $0xC8, s0  }
0x8: {  	s3 =	sor.u32 s0, s2;
	s25 =	ssub.s32 $0x2, s0;
	s0 =	smul.u32 $0x32000, s0  }
0x9: {  	s29 =	simm.s32 $0x8;
	s2 =	simm.s32 $0x0;
	s4 =	smul.u32 $0xC80, s3  }
0xa: {  	s30 =	simm.s32 $0x0;
	[smem:$0x7FF] =	sst s2;
	s5 =	smul.u32 $0x190000, s3  }
0xb: {  	s3 =	sadd.s32 $0x19800, s1;
	s6 =	sshrl.u32 s25, $0x1;
	s31 =	sadd.s32 s13, s12  }
0xc: {  	s13 =	simm.s32 $0x9;
	_ =	strace $0x80000047;
	s11 =	ssub.s32 s25, s6  }
0xd: {  	s26 =	sadd.s32 s10, s8;
	s1 =	sadd.s32 s4, s1;
	s5 =	sshrl.u32 s5, $0x3  }
0xe: {  	s25 =	simm.s32 $0x3;
	s9 =	sadd.s32 s12, s5;
	s1 =	sadd.s32 $0x800, s1  }
0xf: {  	[dreg:$0x3] =	wrdreg s1;
	s5 =	sadd.s32 $0x31000, s9;
	s6 =	sadd.s32 $0x31400, s9  }
0x10: {  	s7 =	sadd.s32 $0x31800, s9;
	s8 =	sadd.s32 $0x31C00, s9;
	s1 =	sshll.u32 s26, $0xA  }
0x11: {  	s9 =	smax.u32 s11, $0x1;
	s26 =	simm.s32 $0x7;
	s1 =	sadd.s32 s1, s12  }
0x12: {  	s12 =	sadd.s32 s0, s31;
	s10 =	sadd.s32 $0xC00, s1;
	s11 =	sadd.s32 $0x800, s1  }
.LBB2_1:
0x13: {  	s0 =	rddreg [dreg:$0x3]  }
0x14: {  	[tilespmem:s2], [sflag:$0x9] =	stream.linear.gather [hbm4b:s0+s2], $0x6400, $0x38;
	[tilespmem:$0xE400] =	vst v63  }
0x15: {  	_ =	swait.ge [sflag:s13], $0x6400  }
0x16: {  	[sflag:s13] =	ssyncset.done $0x0  }
0x17: {  	[sflag:s13] =	ssyncadd.s32 $0xFFFF9C00  }
0x18: {  	[tilespmem:s15], [sflag:$0x1] =	stream.indirect.gather [hbm4b:s3+s14], $0x40, s2, s14, $0xb8;
	[tilespmem:$0xE400] =	vst v63  }
0x19: {  	_ = 	snop  }
0x1a: {  	[tilespmem:s16], [sflag:$0x2] =	stream.indirect.gather [hbm4b:s3+s14], $0x40, s14, s14, $0xb8;
	[tilespmem:$0xE400] =	vst v63  }
0x1b: {  	s17 =	simm.s32 $0x100  }
0x1c: {  	[tilespmem:s18], [sflag:$0x3] =	stream.indirect.gather [hbm4b:s3+s14], $0x40, s17, s14, $0xb8;
	[tilespmem:$0xE400] =	vst v63  }
0x1d: {  	s19 =	simm.s32 $0x180  }
0x1e: {  	[tilespmem:s20], [sflag:$0x4] =	stream.indirect.gather [hbm4b:s3+s14], $0x40, s19, s14, $0xb8;
	[tilespmem:$0xE400] =	vst v63  }
0x1f: {  	_ =	swait.ge [sflag:s21], $0x2000  }
0x20: {  	[sflag:s21] =	ssyncset.done $0x0  }
0x21: {  	[sflag:s21] =	ssyncadd.s32 $0xFFFFE000  }
0x22: {  	[hbm4b:s12+s2] =	stream.linear.scatter [tilespmem:s15], [sflag:$0x5], $0x2000, $0x38;
	[tilespmem:$0xE400] =	vst v63  }
0x23: {  	_ =	swait.ge [sflag:s22], $0x2000  }
0x24: {  	[sflag:s22] =	ssyncset.done $0x0  }
0x25: {  	s1 =	simm.s32 $0x200;
	[sflag:s22] =	ssyncadd.s32 $0xFFFFE000  }
0x26: {  	[tilespmem:s15], [sflag:$0x1] =	stream.indirect.gather [hbm4b:s3+s14], $0x40, s1, s14, $0xb8;
	[tilespmem:$0xE400] =	vst v63  }
0x27: {  	_ =	swait.ge [sflag:s23], $0x2000  }
0x28: {  	[sflag:s23] =	ssyncset.done $0x0  }
0x29: {  	s4 =	sadd.s32 $0xFFFFF800, s10;
	[sflag:s23] =	ssyncadd.s32 $0xFFFFE000  }
0x2a: {  	[hbm4b:s4+s2] =	stream.linear.scatter [tilespmem:s16], [sflag:$0x6], $0x2000, $0x38;
	[tilespmem:$0xE400] =	vst v63  }
0x2b: {  	_ =	swait.ge [sflag:s24], $0x2000  }
0x2c: {  	[sflag:s24] =	ssyncset.done $0x0  }
0x2d: {  	s17 =	simm.s32 $0x280;
	[sflag:s24] =	ssyncadd.s32 $0xFFFFE000  }
0x2e: {  	[tilespmem:s16], [sflag:$0x2] =	stream.indirect.gather [hbm4b:s3+s14], $0x40, s17, s14, $0xb8;
	[tilespmem:$0xE400] =	vst v63  }
0x2f: {  	_ =	swait.ge [sflag:s25], $0x2000  }
0x30: {  	[sflag:s25] =	ssyncset.done $0x0  }
0x31: {  	[sflag:s25] =	ssyncadd.s32 $0xFFFFE000  }
0x32: {  	[hbm4b:s11+s2] =	stream.linear.scatter [tilespmem:s18], [sflag:$0x7], $0x2000, $0x38;
	[tilespmem:$0xE400] =	vst v63  }
0x33: {  	_ =	swait.ge [sflag:s26], $0x2000  }
0x34: {  	[sflag:s26] =	ssyncset.done $0x0  }
0x35: {  	s19 =	simm.s32 $0x300;
	[sflag:s26] =	ssyncadd.s32 $0xFFFFE000  }
0x36: {  	[tilespmem:s18], [sflag:$0x3] =	stream.indirect.gather [hbm4b:s3+s14], $0x40, s19, s14, $0xb8;
	[tilespmem:$0xE400] =	vst v63  }
0x37: {  	_ =	swait.ge [sflag:s28], $0x2000  }
0x38: {  	[sflag:s28] =	ssyncset.done $0x0  }
0x39: {  	[sflag:s28] =	ssyncadd.s32 $0xFFFFE000  }
0x3a: {  	[hbm4b:s10+s2] =	stream.linear.scatter [tilespmem:s20], [sflag:$0x8], $0x2000, $0x38;
	[tilespmem:$0xE400] =	vst v63  }
0x3b: {  	s31 =	simm.s32 $0x800;
	_ =	swait.ge [sflag:s29], $0x2000  }
0x3c: {  	s0 =	sadd.s32 $0x1000, s12;
	s1 =	sadd.s32 $0x1000, s11;
	[sflag:s29] =	ssyncset.done $0x0  }
0x3d: {  	s17 =	sadd.s32 $0x1000, s10;
	s19 =	simm.s32 $0x380;
	[sflag:s29] =	ssyncadd.s32 $0xFFFFE000  }
.LBB2_2:
0x3e: {  	[tilespmem:s20], [sflag:$0x4] =	stream.indirect.gather [hbm4b:s3+s14], $0x40, s19, s14, $0xb8;
	[tilespmem:$0xE400] =	vst v63  }
0x3f: {  	s19 =	smov.u32 s31  }
0x40: {  	p0 =	sne.s32 s31, $0x18000;
	s31 =	sadd.s32 $0x800, s31;
	_ =	swait.ge [sflag:s21], $0x2000  }
0x41: {  	[sflag:s21] =	ssyncset.done $0x0  }
0x42: {  	[sflag:s21] =	ssyncadd.s32 $0xFFFFE000  }
0x43: {  	[hbm4b:s0+s2] =	stream.linear.scatter [tilespmem:s15], [sflag:$0x5], $0x2000, $0x38;
	[tilespmem:$0xE400] =	vst v63  }
0x44: {  	_ =	swait.ge [sflag:s22], $0x2000  }
0x45: {  	s19 =	sshra.s32 s19, $0x2;
	[sflag:s22] =	ssyncset.done $0x0  }
0x46: {  	s4 =	sadd.s32 $0x200, s19;
	[sflag:s22] =	ssyncadd.s32 $0xFFFFE000  }
0x47: {  	[tilespmem:s15], [sflag:$0x1] =	stream.indirect.gather [hbm4b:s3+s14], $0x40, s4, s14, $0xb8;
	[tilespmem:$0xE400] =	vst v63  }
0x48: {  	_ =	swait.ge [sflag:s23], $0x2000  }
0x49: {  	[sflag:s23] =	ssyncset.done $0x0  }
0x4a: {  	s4 =	sadd.s32 $0xFFFFF800, s17;
	[sflag:s23] =	ssyncadd.s32 $0xFFFFE000  }
0x4b: {  	[hbm4b:s4+s2] =	stream.linear.scatter [tilespmem:s16], [sflag:$0x6], $0x2000, $0x38;
	[tilespmem:$0xE400] =	vst v63  }
0x4c: {  	_ =	swait.ge [sflag:s24], $0x2000  }
0x4d: {  	[sflag:s24] =	ssyncset.done $0x0  }
0x4e: {  	s4 =	sadd.s32 $0x280, s19;
	[sflag:s24] =	ssyncadd.s32 $0xFFFFE000  }
0x4f: {  	[tilespmem:s16], [sflag:$0x2] =	stream.indirect.gather [hbm4b:s3+s14], $0x40, s4, s14, $0xb8;
	[tilespmem:$0xE400] =	vst v63  }
0x50: {  	_ =	swait.ge [sflag:s25], $0x2000  }
0x51: {  	[sflag:s25] =	ssyncset.done $0x0  }
0x52: {  	[sflag:s25] =	ssyncadd.s32 $0xFFFFE000  }
0x53: {  	[hbm4b:s1+s2] =	stream.linear.scatter [tilespmem:s18], [sflag:$0x7], $0x2000, $0x38;
	[tilespmem:$0xE400] =	vst v63  }
0x54: {  	_ =	swait.ge [sflag:s26], $0x2000  }
0x55: {  	[sflag:s26] =	ssyncset.done $0x0  }
0x56: {  	s4 =	sadd.s32 $0x300, s19;
	[sflag:s26] =	ssyncadd.s32 $0xFFFFE000  }
0x57: {  	[tilespmem:s18], [sflag:$0x3] =	stream.indirect.gather [hbm4b:s3+s14], $0x40, s4, s14, $0xb8;
	[tilespmem:$0xE400] =	vst v63  }
0x58: {  	_ =	swait.ge [sflag:s28], $0x2000  }
0x59: {  	[sflag:s28] =	ssyncset.done $0x0  }
.Ltmp0:
0x5a: {  	[sflag:s28] =	ssyncadd.s32 $0xFFFFE000;
	(pc) =	sbr.rel @p0 .LBB2_2-.Ltmp0, $4  }
0x5b: {  	[hbm4b:s17+s2] =	stream.linear.scatter [tilespmem:s20], [sflag:$0x8], $0x2000, $0x38;
	[tilespmem:$0xE400] =	vst v63  }
0x5c: {  	_ =	swait.ge [sflag:s29], $0x2000  }
0x5d: {  	s0 =	sadd.s32 $0x1000, s0;
	s1 =	sadd.s32 $0x1000, s1;
	[sflag:s29] =	ssyncset.done $0x0  }
0x5e: {  	s19 =	sadd.s32 $0x380, s19;
	s17 =	sadd.s32 $0x1000, s17;
	[sflag:s29] =	ssyncadd.s32 $0xFFFFE000  }
0x5f: {  	[tilespmem:s20], [sflag:$0x4] =	stream.indirect.gather [hbm4b:s3+s14], $0x40, s19, s14, $0xb8;
	[tilespmem:$0xE400] =	vst v63  }
0x60: {  	_ =	swait.ge [sflag:s21], $0x2000  }
0x61: {  	[sflag:s21] =	ssyncset.done $0x0  }
0x62: {  	[sflag:s21] =	ssyncadd.s32 $0xFFFFE000  }
0x63: {  	[hbm4b:s5+s2] =	stream.linear.scatter [tilespmem:s15], [sflag:$0x5], $0x2000, $0x38;
	[tilespmem:$0xE400] =	vst v63  }
0x64: {  	_ =	swait.ge [sflag:s23], $0x2000  }
0x65: {  	[sflag:s23] =	ssyncset.done $0x0  }
0x66: {  	[sflag:s23] =	ssyncadd.s32 $0xFFFFE000  }
0x67: {  	[hbm4b:s6+s2] =	stream.linear.scatter [tilespmem:s16], [sflag:$0x6], $0x2000, $0x38;
	[tilespmem:$0xE400] =	vst v63  }
0x68: {  	_ =	swait.ge [sflag:s25], $0x2000  }
0x69: {  	[sflag:s25] =	ssyncset.done $0x0  }
0x6a: {  	[sflag:s25] =	ssyncadd.s32 $0xFFFFE000  }
0x6b: {  	[hbm4b:s7+s2] =	stream.linear.scatter [tilespmem:s18], [sflag:$0x7], $0x2000, $0x38;
	[tilespmem:$0xE400] =	vst v63  }
0x6c: {  	_ =	swait.ge [sflag:s28], $0x2000  }
0x6d: {  	[sflag:s28] =	ssyncset.done $0x0  }
0x6e: {  	[sflag:s28] =	ssyncadd.s32 $0xFFFFE000  }
0x6f: {  	[hbm4b:s8+s2] =	stream.linear.scatter [tilespmem:s20], [sflag:$0x8], $0x2000, $0x38;
	[tilespmem:$0xE400] =	vst v63  }
0x70: {  	_ =	swait.ge [sflag:s22], $0x2000  }
0x71: {  	[sflag:s22] =	ssyncset.done $0x0  }
0x72: {  	[sflag:s22] =	ssyncadd.s32 $0xFFFFE000  }
0x73: {  	_ =	swait.ge [sflag:s24], $0x2000  }
0x74: {  	[sflag:s24] =	ssyncset.done $0x0  }
0x75: {  	s30 =	sadd.s32 $0x1, s30;
	[sflag:s24] =	ssyncadd.s32 $0xFFFFE000  }
0x76: {  	p0 =	sne.s32 s30, s9;
	_ =	swait.ge [sflag:s26], $0x2000  }
.Ltmp1:
0x77: {  	[sflag:s26] =	ssyncset.done $0x0;
	(pc) =	sbr.rel @p0 .LBB2_1-.Ltmp1, $4  }
0x78: {  	[sflag:s26] =	ssyncadd.s32 $0xFFFFE000  }
0x79: {  	_ =	swait.ge [sflag:s29], $0x2000  }
0x7a: {  	[sflag:s29] =	ssyncset.done $0x0  }
0x7b: {  	[sflag:s29] =	ssyncadd.s32 $0xFFFFE000  }
0x7c: {  	_ =	sfence.sel $0x180000  }
0x7d: {  	[bflag:$0x0] =	sbarrier.arrive $0xFFFF  }
0x7e: {  	_ =	strace $0x90000047  }
0x7f: {  	s0 =	stileid.u32;
	[bflag:$0x2] =	sbarrier.arrive $0xFFFF  }
0x80: {  	p0 =	sne.s32 s0, $0x0;
	s0 =	rddreg [dreg:$0x2]  }
0x81: {  	s0 =	sadd.s32 @!p0 $0x100000, s0  }
0x82: {  	[sflag:s0] =	ssyncadd.tile.s32 @!p0 $0x1;
	_ =	shalt  }
.Lfunc_end2:
_tile_overlayer_lowered:
.L_overlay_start_2:
0x83: {  	(tag) =	ssettag $0x2  }
0x84: {  	s0 =	rddreg [dreg:$0x0];
	s2 =	stileid.u32  }
0x85: {  	s1 =	rddreg [dreg:$0x1];
	p0 =	sne.s32 s2, $0x0  }
0x86: {  	s3 =	rddreg [dreg:$0x2];
	[bflag:$0x3] =	sbarrier.arrive $0xFFFF;
	s2 =	simm.s32 @!p0 $0x1C09  }
0x87: {  	[timem:s3], [sflag:s2] =	dma.local @!p0 [hbm:s0], s1  }
0x88: {  	s0 =	simm.s32 @!p0 $0x9  }
0x89: {  	_ =	swait.ge @!p0 [sflag:s0], s1  }
0x8a: {  	s1 =	ssub.s32 @!p0 $0x0, s1;
	[sflag:s0] =	ssyncset.done @!p0 $0x0  }
0x8b: {  	[sflag:s0] =	ssyncadd.s32 @!p0 s1  }
0x8c: {  	[bflag:$0x3] =	sbarrier.arrive $0xFFFF  }
0x8d: {  	_ =	shalt  }

// kernel: sparse-core-data-format-call.cloned.1.call-start
scs
called_computation_lowered:
.L_overlay_start_0:
0x0: {  	s2 =	sld [smem:$0x3FD9]  }
0x1: {  	s3 =	sld [smem:$0x3FFE];
	_ =	sdelay $0x1  }
0x2: {  	s1 =	srdreg.scid  }
0x3: {  	s0 =	sand.u32 $0x1, s1  }
0x4: {  	s18 =	sshll.u32 s0, $0xA;
	s2 =	sadd.s32 s3, s2  }
0x5: {  	s2 =	sadd.s32 s2, s18  }
0x6: {  	[smem:$0x3FC6] =	sst s2  }
0x7: {  	_ = 	snop  }
0x8: {  	s2 =	sld [smem:$0x3FD0];
	(tm) =	ssettm $0x1  }
0x9: {  	s19 =	sld [smem:$0x3FFB];
	_ =	sdelay $0x3  }
0xa: {  	_ =	strace s19  }
0xb: {  	s3 =	sld [smem:$0x3FFC];
	_ =	sdelay $0x3  }
0xc: {  	_ =	strace s3  }
0xd: {  	s3 =	sld [smem:$0x3FFD];
	_ =	sdelay $0x3  }
0xe: {  	_ =	strace s3  }
0xf: {  	_ =	strace $0x8FFFFFFF  }
0x10: {  	s20 =	sld [smem:$0x3FDB];
	_ =	sdelay $0x1  }
0x11: {  	s4 =	simm.s32 $_scs_section_size  }
0x12: {  	s5 =	simm.s32 $_size__tile_overlayer_lowered;
	s6 =	simm.s32 $_tile_overlayer_lowered  }
0x13: {  	s23 =	simm.s32 $0x1BFF;
	s22 =	sshll.u32 s6, $0x1;
	s3 =	sadd.s32 s4, s20  }
0x14: {  	s7 =	simm.s32 $0x0;
	s21 =	sshll.u32 s5, $0x1;
	s5 =	sadd.s32 s22, s3  }
0x15: {  	[timem:s7], [sflag:s23] =	dma.local [hbm:s5], s21  }
0x16: {  	_ =	swait.ge [sflag:s23], s21  }
0x17: {  	s4 =	ssub.s32 $0x0, s21;
	[sflag:s23] =	ssyncset.done $0x0  }
0x18: {  	[sflag:s23] =	ssyncadd.s32 s4;
	_ =	sdelay $0x1  }
0x19: {  	s24 =	simm.s32 $0x1B8B  }
0x1a: {  	_ =	swait.ge [sflag:s24], $0x1  }
0x1b: {  	[sflag:s24] =	ssyncset.done $0x0  }
0x1c: {  	s26 =	simm.s32 $0x1B8E;
	s25 =	sld [smem:$0x3FFE];
	[sflag:s24] =	ssyncadd.s32 $0xFFFFFFFF  }
0x1d: {  	s27 =	simm.s32 $execute0_lowered;
	[smem:$0x3FD2] =	sst s26  }
0x1e: {  	s5 =	sshll.u32 s27, $0x1;
	_ =	strace $0x80000049;
	[dreg:$0x1] =	wrdreg $0xFFFFFFFF  }
0x1f: {  	s28 =	simm.s32 $_size_execute0_lowered;
	s3 =	sadd.s32 s3, s5;
	[dreg:$0x0] =	wrdreg $0x0  }
0x20: {  	s5 =	sshll.u32 s28, $0x1;
	[dreg:$0x2] =	wrdreg s3  }
0x21: {  	[dreg:$0x3] =	wrdreg s5  }
0x22: {  	[dreg:$0x4] =	wrdreg $0xC0  }
0x23: {  	_ =	task [dreg:s7], $0x5FFFF  }
0x24: {  	[dreg:$0x1] =	wrdreg $0xFFFFFFFF  }
0x25: {  	[dreg:$0x0] =	wrdreg $0x60  }
0x26: {  	[dreg:$0x2] =	wrdreg s25  }
0x27: {  	[dreg:$0x3] =	wrdreg s2  }
0x28: {  	[dreg:$0x4] =	wrdreg $0x9  }
0x29: {  	_ =	task.clear_ibuf [dreg:s7], $0x5FFFF;
	_ =	strace $0x90000049  }
0x2a: {  	s29 =	simm.s32 $0x9;
	_ =	strace $0x8000004B  }
0x2b: {  	_ =	swait.ge [sflag:s29], $0x1  }
0x2c: {  	[sflag:s29] =	ssyncadd.s32 $0xFFFFFFFF  }
0x2d: {  	_ =	strace $0x9000004B  }
0x2e: {  	_ =	sfence  }
0x2f: {  	s30 =	sld [smem:$0x0];
	_ =	sdelay $0x2  }
0x30: {  	s31 =	sshll.u32 s1, $0xD;
	s1 =	sshrl.u32 s1, $0x2  }
0x31: {  	s3 =	sand.u32 $0x4000, s31;
	s1 =	sadd.s32 s1, s30  }
0x32: {  	s0 =	sor.u32 s3, s0;
	s1 =	sshll.u32 s1, $0x11  }
0x33: {  	s0 =	sor.u32 s1, s0  }
0x34: {  	s0 =	sadd.s32 $0x8F2B, s0  }
0x35: {  	[sflag:s0] =	ssyncadd.remote.s32 $0x1  }
0x36: {  	_ =	sfence.sel $0xFFFF  }
0x37: {  	[dreg:$0x0] =	wrdreg $0xFFFFFFFF;
	(pc) =	sbr.abs _section_cstart, $3  }
0x38: {  	[dreg:$0x1] =	wrdreg $0xFFFFFFFF  }
0x39: {  	_ =	task.clear_ibuf [dreg:s7], $0x2FFFF;
	_ =	strace $0x9FFFFFFF  }
0x3a: {  	(tm) =	ssettm $0x7FFFFFFF  }
0x3b: {  	_ =	shalt  }
tec
execute0_lowered:
.L_overlay_start_1:
0x0: {  	(tag) =	ssettag $0x1  }
0x1: {  	s0 =	srdreg.scid  }
0x2: {  	s1 =	sshll.u32 s0, $0x4  }
0x3: {  	s0 =	stileid.u32;
	s1 =	sand.u32 $0x10, s1  }
0x4: {  	s1 =	sor.u32 s0, s1  }
0x5: {  	s6 =	rddreg [dreg:$0x0];
	s4 =	simm.s32 $0x1;
	s2 =	sshll.u32 s1, $0x7  }
0x6: {  	s7 =	simm.s32 $0x2;
	s12 =	simm.s32 $0x0;
	s1 =	ssub.s32 $0x1000, s2  }
0x7: {  	s8 =	simm.s32 $0x8000;
	s13 =	simm.s32 $0x0;
	s3 =	sand.u32 $0xF80, s1  }
0x8: {  	s9 =	simm.s32 $0x0;
	s5 =	sshrl.u32 s1, $0xC;
	p0 =	sne.s32 s3, $0x0  }
.Ltmp0:
0x9: {  	s1 =	rddreg [dreg:$0x2];
	s4 =	simm.s32 @!p0 $0x0;
	(pc) =	sbr.rel .LBB1_1-.Ltmp0, $4  }
0xa: {  	s11 =	simm.s32 $0x0;
	s3 =	rddreg [dreg:$0x1];
	s5 =	sadd.s32 s4, s5  }
0xb: {  	_ =	strace $0x8000004A;
	s4 =	simm.s32 $0x1;
	s5 =	smul.u32 $0xC8, s5  }
0xc: {  	s6 =	sadd.s32 $0x800, s6;
	s10 =	smov.u32 s2;
	[sflag:s4] =	ssyncpa.u1 $0x0  }
0xd: {  	p0 =	por $0x0, $0x0;
	[sflag:s7] =	ssyncpa.u1 $0x0;
	s7 =	sor.u32 $0x1, s5  }
.LBB1_4:
0xe: {  	s16 =	sshll.u32 s13, $0x3;
	s17 =	sand.u32 $0x78, s13  }
0xf: {  	s30 =	sand.u32 $0x7E00, s13;
	s12 =	sshll.u32 s12, $0xF;
	s16 =	sand.u32 $0xC00, s16  }
0x10: {  	[tilespmem:s15+$0x810 ss:$0x81] =	vst.msk $0xffff, v2;
	s31 =	sand.u32 $0x7, s13;
	s16 =	sor.u32 s17, s16;
	s17 =	sadd.s32 s3, s30  }
0x11: {  	[tilespmem:s15+$0x1020 ss:$0x81] =	vst.msk $0xffff, v0;
	s13 =	sshll.u32 s31, $0x12;
	s12 =	sadd.s32 s12, s17;
	s16 =	sshrl.u32 s16, $0x3  }
0x12: {  	[tilespmem:s15+$0x0 ss:$0x81] =	vst.msk $0xffff, v1;
	s13 =	sor.u32 $0x400, s13;
	s12 =	sadd.s32 s16, s12  }
0x13: {  	[hbm4b:s12+s13] =	stream.strided.scatter [tilespmem:s14], [sflag:$0x2], $0x2000, s8, s13, $0x20;
	[tilespmem:$0x8080] =	vst v63  }
.LBB1_5:
0x14: {  	s14 =	sadd.s32 $0x1, s9  }
0x15: {  	s12 =	sadd.s32 $0x1000, s10;
	s16 =	smov.u32 s10;
	p2 =	sgt.s32 s14, $0xC7  }
0x16: {  	s16 =	smov.u32 @p2 s12  }
0x17: {  	s14 =	simm.s32 @p2 $0x0;
	p2 =	sgt.s32 s16, $0xFFF  }
0x18: {  	s16 =	smov.u32 @p2 s2;
	p2 =	sne.s32 s11, s7  }
.Ltmp1:
0x19: {  	p1 =	slt.u32 s11, $0x2;
	(pc) =	sbr.rel @!p2 .LBB1_6-.Ltmp1, $4  }
0x1a: {  	s15 =	simm.s32 @!p1 $0x2  }
0x1b: {  	s13 =	smov.u32 s10;
	p0 =	por !p0, !p0;
	_ =	swait.ge @!p1 [sflag:s15], $0x2000  }
0x1c: {  	s12 =	smov.u32 s9;
	[sflag:s15] =	ssyncset.done @!p1 $0x0;
	s9 =	smov.u32 s14  }
0x1d: {  	s11 =	sadd.s32 $0x1, s11;
	[sflag:s15] =	ssyncadd.s32 @!p1 $0xFFFFE000;
	s10 =	smov.u32 s16  }
.LBB1_1:
0x1e: {  	p1 =	sge.u32 s11, s5  }
0x1f: {  	s14 =	sand.u32 @!p1 $0x1FFFFFF, s9  }
0x20: {  	s15 =	smulhi.u32 @!p1 $0x147AE15, s14;
	_ =	sdelay $0x1  }
0x21: {  	s15 =	smul.u32 @!p1 $0xC8, s15  }
0x22: {  	s16 =	sxor.u32 @!p1 $0xFFFFFFFF, s11;
	s17 =	smul.u32 @!p1 $0xC80, s10  }
0x23: {  	s31 =	sadd.s32 $0xFFFFFFFF, s11;
	s16 =	sshll.u32 @!p1 s16, $0xD;
	s14 =	ssub.s32 @!p1 s14, s15  }
0x24: {  	s15 =	sand.u32 @!p1 $0x2000, s16;
	s16 =	sadd.s32 @!p1 s6, s17;
	s14 =	sshll.u32 @!p1 s14, $0x4  }
0x25: {  	s17 =	simm.s32 @!p1 $0x6400;
	s14 =	sadd.s32 @!p1 s14, s16;
	s16 =	simm.s32 @!p1 $0x40  }
0x26: {  	[tilespmem:s15], [sflag:$0x1] =	stream.strided.gather @!p1 [hbm4b:s14+s16], $0x2000, s17, s16, $0x38;
	[tilespmem:$0x8080] =	vst v63  }
0x27: {  	p1 =	sge.u32 s31, s5  }
.Ltmp2:
0x28: {  	_ = 	snop;
	(pc) =	sbr.rel @p1 .LBB1_5-.Ltmp2, $1  }
0x29: {  	_ =	sdelay $0x3  }
0x2a: {  	s14 =	simm.s32 $0x1  }
0x2b: {  	_ =	swait.ge [sflag:s4], $0x2000;
	s14 =	simm.s32 @!p0 $0x0  }
0x2c: {  	[sflag:s4] =	ssyncset.done $0x0;
	s15 =	sshll.u32 s14, $0xD  }
0x2d: {  	[sflag:s4] =	ssyncadd.s32 $0xFFFFE000;
	s18 =	sor.u32 $0x20, s15  }
0x2e: {  	s14 =	smul.u32 $0x8100, s14;
	v3 =	vld [tilespmem:s18+$0x10]  }
0x2f: {  	s30 =	sand.u32 $0x1, s11;
	v2 =	vld [tilespmem:s18+$0xFFFFFFF0]  }
0x30: {  	s15 =	smul.u32 $0x8100, s30;
	s14 =	sshrl.u32 s14, $0x2;
	v0 =	vld [tilespmem:s18+$0x0]  }
0x31: {  	v1 =	vld [tilespmem:s18+$0xFFFFFFE0];
	s16 =	sor.u32 $0x4000, s14  }
0x32: {  	s31 =	sshrl.u32 s15, $0x2;
	s15 =	sadd.s32 $0x0, s16  }
0x33: {  	s17 =	simm.s32 $0x4;
	s18 =	sadd.s32 $0x40, s18;
	s14 =	sor.u32 $0x4000, s31;
	[tilespmem:s15+$0x1830 ss:$0x81] =	vst.msk $0xffff, v3  }
.LBB1_3:
0x34: {  	v3 =	vld [tilespmem:s18+$0x10];
	p1 =	sne.s32 s17, $0x1FC;
	[tilespmem:s15+$0x810 ss:$0x81] =	vst.msk $0xffff, v2;
	s19 =	smov.u32 s17;
	s17 =	sadd.s32 $0x4, s17  }
.Ltmp3:
0x35: {  	v2 =	vld [tilespmem:s18+$0xFFFFFFF0];
	[tilespmem:s15+$0x1020 ss:$0x81] =	vst.msk $0xffff, v0;
	(pc) =	sbr.rel @p1 .LBB1_3-.Ltmp3, $4  }
0x36: {  	v0 =	vld [tilespmem:s18+$0x0];
	[tilespmem:s15+$0x0 ss:$0x81] =	vst.msk $0xffff, v1  }
0x37: {  	s15 =	sshra.s32 s19, $0x2;
	v1 =	vld [tilespmem:s18+$0xFFFFFFE0]  }
0x38: {  	s15 =	sadd.s32 s15, s16  }
0x39: {  	s18 =	sadd.s32 $0x40, s18;
	[tilespmem:s15+$0x1830 ss:$0x81] =	vst.msk $0xffff, v3  }
.Ltmp4:
0x3a: {  	_ = 	snop;
	(pc) =	sbr.rel .LBB1_4-.Ltmp4, $1  }
0x3b: {  	_ =	sdelay $0x3  }
.LBB1_6:
0x3c: {  	_ =	sfence.sel $0x180000  }
0x3d: {  	s2 =	simm.s32 $0x1;
	[bflag:$0x0] =	sbarrier.arrive $0xFFFF  }
0x3e: {  	s31 =	simm.s32 $0x2;
	[sflag:s2] =	ssyncpa.u1 $0x1  }
0x3f: {  	[sflag:s31] =	ssyncpa.u1 $0x1  }
0x40: {  	p0 =	sne.s32 s0, $0x0;
	_ =	strace $0x9000004A  }
0x41: {  	s0 =	sadd.s32 @!p0 $0x100000, s1;
	[bflag:$0x2] =	sbarrier.arrive $0xFFFF  }
0x42: {  	[sflag:s0] =	ssyncadd.tile.s32 @!p0 $0x1;
	_ =	shalt  }
.Lfunc_end1:
_tile_overlayer_lowered:
.L_overlay_start_2:
0x43: {  	(tag) =	ssettag $0x2  }
0x44: {  	s0 =	rddreg [dreg:$0x0];
	s2 =	stileid.u32  }
0x45: {  	s1 =	rddreg [dreg:$0x1];
	p0 =	sne.s32 s2, $0x0  }
0x46: {  	s3 =	rddreg [dreg:$0x2];
	[bflag:$0x3] =	sbarrier.arrive $0xFFFF;
	s2 =	simm.s32 @!p0 $0x1C01  }
0x47: {  	[timem:s3], [sflag:s2] =	dma.local @!p0 [hbm:s0], s1  }
0x48: {  	s0 =	simm.s32 @!p0 $0x1  }
0x49: {  	_ =	swait.ge @!p0 [sflag:s0], s1  }
0x4a: {  	s1 =	ssub.s32 @!p0 $0x0, s1;
	[sflag:s0] =	ssyncset.done @!p0 $0x0  }
0x4b: {  	[sflag:s0] =	ssyncadd.s32 @!p0 s1  }
0x4c: {  	[bflag:$0x3] =	sbarrier.arrive $0xFFFF  }
0x4d: {  	_ =	shalt  }

</sc_bundles>
